<compile_context>
chip_gen: v7x
topology: tpu7x:2x2x1
jax: 0.10.2.dev20260603
libtpu: 0.0.44.dev20260713+nightly
codegen_flags: <defaults>
</compile_context>

<pallas_src>
import functools

import jax
import jax.numpy as jnp
from jax import lax
from jax.experimental import pallas as pl
from jax.experimental.pallas import tpu as pltpu
from jax.experimental.pallas import tpu_sc as plsc

_N = 10000
_E = 320000
_H = 128
_DE = 16

_NACC = 10240
_RPT = _NACC // 16
_CHUNK = 128
_NTILES = 32
_EPT = 79 * _CHUNK
_EPAD = _NTILES * _EPT


def _deg_body(dst_hbm, zeros_hbm, ones_hbm, out, idx_v, ones_v, acc):
    cid = lax.axis_index("c")
    sid = lax.axis_index("s")
    sl = pl.ds(sid * _RPT, _RPT)
    pltpu.sync_copy(ones_hbm, ones_v)
    pltpu.sync_copy(zeros_hbm.at[sl], acc.at[sl])
    plsc.subcore_barrier()
    base = (cid * 16 + sid) * _EPT

    def body(i, c):
        off = base + i * _CHUNK
        pltpu.sync_copy(dst_hbm.at[pl.ds(off, _CHUNK)], idx_v)
        pltpu.sync_copy(ones_v, acc.at[idx_v], add=True)
        return c

    lax.fori_loop(0, _EPT // _CHUNK, body, 0)
    plsc.subcore_barrier()
    pltpu.sync_copy(acc.at[sl], out.at[pl.ds(cid * _NACC + sid * _RPT, _RPT)])


@functools.lru_cache(maxsize=None)
def _get_deg_kernel():
    return pl.kernel(
        _deg_body,
        out_type=jax.ShapeDtypeStruct((2 * _NACC,), jnp.float32),
        mesh=plsc.VectorSubcoreMesh(core_axis_name="c", subcore_axis_name="s"),
        scratch_types=[
            pltpu.VMEM((_CHUNK,), jnp.int32),
            pltpu.VMEM((_CHUNK,), jnp.float32),
            pltpu.VMEM_SHARED((_NACC,), jnp.float32),
        ],
    )


def _agg_body(y_hbm, src_hbm, dst_hbm, out,
              sidx_v, didx_v, rows_v, acc, sem):
    cid = lax.axis_index("c")
    sid = lax.axis_index("s")
    sl = pl.ds(sid * _RPT, _RPT)
    pltpu.sync_copy(y_hbm.at[sl], acc.at[sl])
    plsc.subcore_barrier()
    base = (cid * 16 + sid) * _EPT

    def body(i, c):
        off = base + i * _CHUNK
        pltpu.sync_copy(src_hbm.at[pl.ds(off, _CHUNK)], sidx_v)
        pltpu.sync_copy(dst_hbm.at[pl.ds(off, _CHUNK)], didx_v)
        pltpu.async_copy(y_hbm.at[sidx_v], rows_v, sem).wait()
        pltpu.sync_copy(rows_v, acc.at[didx_v], add=True)
        return c

    lax.fori_loop(0, _EPT // _CHUNK, body, 0)
    plsc.subcore_barrier()
    pltpu.sync_copy(acc.at[sl], out.at[pl.ds(cid * _NACC + sid * _RPT, _RPT)])


@functools.lru_cache(maxsize=None)
def _get_agg_kernel():
    return pl.kernel(
        _agg_body,
        out_type=jax.ShapeDtypeStruct((2 * _NACC, _H), jnp.float32),
        mesh=plsc.VectorSubcoreMesh(core_axis_name="c", subcore_axis_name="s"),
        scratch_types=[
            pltpu.VMEM((_CHUNK,), jnp.int32),
            pltpu.VMEM((_CHUNK,), jnp.int32),
            pltpu.VMEM((_CHUNK, _H), jnp.float32),
            pltpu.VMEM_SHARED((_NACC, _H), jnp.float32),
            pltpu.SemaphoreType.DMA,
        ],
    )


def _final_body(a_hbm, b_hbm, c_hbm, w2_hbm, src_hbm, dst_hbm, out_hbm,
                sidx_v, didx_v, ra_v, rb_v, rc_v, w2_v, o_v, sem):
    cid = lax.axis_index("c")
    sid = lax.axis_index("s")
    pltpu.sync_copy(w2_hbm, w2_v)
    base = (cid * 16 + sid) * _EPT

    def body(i, c):
        off = base + i * _CHUNK
        pltpu.sync_copy(src_hbm.at[pl.ds(off, _CHUNK)], sidx_v)
        pltpu.sync_copy(dst_hbm.at[pl.ds(off, _CHUNK)], didx_v)
        pltpu.async_copy(a_hbm.at[sidx_v], ra_v, sem).wait()
        pltpu.async_copy(b_hbm.at[didx_v], rb_v, sem).wait()
        pltpu.sync_copy(c_hbm.at[pl.ds(off, _CHUNK)], rc_v)

        def ebody(e, c2):
            accv = jnp.zeros((16,), jnp.float32)
            for k in range(_H // 16):
                s = pl.ds(k * 16, 16)
                t = ra_v[e, s] + rb_v[e, s] + rc_v[e, s]
                accv = accv + jnp.maximum(t, 0.0) * w2_v[s]
            o_v[e, :] = accv
            return c2

        lax.fori_loop(0, _CHUNK, ebody, 0)
        pltpu.sync_copy(o_v, out_hbm.at[pl.ds(off, _CHUNK)])
        return c

    lax.fori_loop(0, _EPT // _CHUNK, body, 0)


@functools.lru_cache(maxsize=None)
def _get_final_kernel():
    return pl.kernel(
        _final_body,
        out_type=jax.ShapeDtypeStruct((_EPAD, 16), jnp.float32),
        mesh=plsc.VectorSubcoreMesh(core_axis_name="c", subcore_axis_name="s"),
        scratch_types=[
            pltpu.VMEM((_CHUNK,), jnp.int32),
            pltpu.VMEM((_CHUNK,), jnp.int32),
            pltpu.VMEM((_CHUNK, _H), jnp.float32),
            pltpu.VMEM((_CHUNK, _H), jnp.float32),
            pltpu.VMEM((_CHUNK, _H), jnp.float32),
            pltpu.VMEM((_H,), jnp.float32),
            pltpu.VMEM((_CHUNK, 16), jnp.float32),
            pltpu.SemaphoreType.DMA,
        ],
    )


_BR = 512


def _k1_body(x_ref, w_ref, d0_ref, d1_ref, dinv_ref, y_ref):
    deg = d0_ref[:, 0] + d1_ref[:, 0] + 1.0
    dinv = lax.rsqrt(deg)
    dinv_ref[...] = dinv[:, None]
    xw = jnp.dot(x_ref[...], w_ref[...], preferred_element_type=jnp.float32)
    y_ref[...] = xw * dinv[:, None]


_NB = _NACC // _BR

_k1 = pl.pallas_call(
    _k1_body,
    grid=(_NB,),
    in_specs=[
        pl.BlockSpec((_BR, _H), lambda i: (i, 0)),
        pl.BlockSpec((_H, _H), lambda i: (0, 0)),
        pl.BlockSpec((_BR, 1), lambda i: (i, 0)),
        pl.BlockSpec((_BR, 1), lambda i: (i + _NB, 0)),
    ],
    out_specs=[
        pl.BlockSpec((_BR, 1), lambda i: (i, 0)),
        pl.BlockSpec((_BR, _H), lambda i: (i, 0)),
    ],
    out_shape=[
        jax.ShapeDtypeStruct((_NACC, 1), jnp.float32),
        jax.ShapeDtypeStruct((_NACC, _H), jnp.float32),
    ],
)


def _k2_body(p0_ref, p1_ref, yin_ref, dinv_ref, b_ref, w_ref, y_ref):
    dinv = dinv_ref[...]
    agg = p0_ref[...] + p1_ref[...] - yin_ref[...]
    h = jnp.maximum(agg * dinv + b_ref[...], 0.0)
    y_ref[...] = jnp.dot(h, w_ref[...], preferred_element_type=jnp.float32) * dinv


_k2 = pl.pallas_call(
    _k2_body,
    grid=(_NB,),
    in_specs=[
        pl.BlockSpec((_BR, _H), lambda i: (i, 0)),
        pl.BlockSpec((_BR, _H), lambda i: (i + _NB, 0)),
        pl.BlockSpec((_BR, _H), lambda i: (i, 0)),
        pl.BlockSpec((_BR, 1), lambda i: (i, 0)),
        pl.BlockSpec((1, _H), lambda i: (0, 0)),
        pl.BlockSpec((_H, _H), lambda i: (0, 0)),
    ],
    out_specs=pl.BlockSpec((_BR, _H), lambda i: (i, 0)),
    out_shape=jax.ShapeDtypeStruct((_NACC, _H), jnp.float32),
)


def _k3_body(p0_ref, p1_ref, yin_ref, dinv_ref, b_ref, wa_ref, wb_ref, a_ref, bo_ref):
    agg = p0_ref[...] + p1_ref[...] - yin_ref[...]
    h = jnp.maximum(agg * dinv_ref[...] + b_ref[...], 0.0)
    a_ref[...] = jnp.dot(h, wa_ref[...], preferred_element_type=jnp.float32)
    bo_ref[...] = jnp.dot(h, wb_ref[...], preferred_element_type=jnp.float32)


_k3 = pl.pallas_call(
    _k3_body,
    grid=(_NB,),
    in_specs=[
        pl.BlockSpec((_BR, _H), lambda i: (i, 0)),
        pl.BlockSpec((_BR, _H), lambda i: (i + _NB, 0)),
        pl.BlockSpec((_BR, _H), lambda i: (i, 0)),
        pl.BlockSpec((_BR, 1), lambda i: (i, 0)),
        pl.BlockSpec((1, _H), lambda i: (0, 0)),
        pl.BlockSpec((_H, _H), lambda i: (0, 0)),
        pl.BlockSpec((_H, _H), lambda i: (0, 0)),
    ],
    out_specs=[
        pl.BlockSpec((_BR, _H), lambda i: (i, 0)),
        pl.BlockSpec((_BR, _H), lambda i: (i, 0)),
    ],
    out_shape=[
        jax.ShapeDtypeStruct((_NACC, _H), jnp.float32),
        jax.ShapeDtypeStruct((_NACC, _H), jnp.float32),
    ],
)

_BE = 2048


def _k4_body(ea_ref, w_ref, b_ref, c_ref):
    c_ref[...] = jnp.dot(ea_ref[...], w_ref[...],
                         preferred_element_type=jnp.float32) + b_ref[...]


_k4 = pl.pallas_call(
    _k4_body,
    grid=(_EPAD // _BE,),
    in_specs=[
        pl.BlockSpec((_BE, _DE), lambda i: (i, 0)),
        pl.BlockSpec((_DE, _H), lambda i: (0, 0)),
        pl.BlockSpec((1, _H), lambda i: (0, 0)),
    ],
    out_specs=pl.BlockSpec((_BE, _H), lambda i: (i, 0)),
    out_shape=jax.ShapeDtypeStruct((_EPAD, _H), jnp.float32),
)


def _k5_body(p_ref, b_ref, o_ref):
    o_ref[...] = jnp.sum(p_ref[...], axis=1, keepdims=True) + b_ref[...]


_k5 = pl.pallas_call(
    _k5_body,
    grid=(_EPAD // _BE,),
    in_specs=[
        pl.BlockSpec((_BE, 16), lambda i: (i, 0)),
        pl.BlockSpec((1, 1), lambda i: (0, 0)),
    ],
    out_specs=pl.BlockSpec((_BE, 1), lambda i: (i, 0)),
    out_shape=jax.ShapeDtypeStruct((_EPAD, 1), jnp.float32),
)


def kernel(x, edge_index, edge_attr, W1, b1, W2, b2, W3, b3, Wf1, bf1, Wf2, bf2):
    pad = _EPAD - _E
    src = edge_index[0]
    dst = edge_index[1]
    srcp = jnp.concatenate([src, jnp.zeros((pad,), jnp.int32)])
    dstp = jnp.concatenate(
        [dst, _N + (jnp.arange(pad, dtype=jnp.int32) % 128)])
    xpad = jnp.pad(x, ((0, _NACC - _N), (0, 0)))
    eap = jnp.pad(edge_attr, ((0, pad), (0, 0)))
    zdeg = jnp.zeros((_NACC,), jnp.float32)
    ones_chunk = jnp.ones((_CHUNK,), jnp.float32)

    dparts = _get_deg_kernel()(dstp, zdeg, ones_chunk).reshape(2 * _NACC, 1)
    dinv, y = _k1(xpad, W1, dparts, dparts)
    agg = _get_agg_kernel()
    p = agg(y, srcp, dstp)
    y2 = _k2(p, p, y, dinv, b1.reshape(1, -1), W2)
    p = agg(y2, srcp, dstp)
    y3 = _k2(p, p, y2, dinv, b2.reshape(1, -1), W3)
    p = agg(y3, srcp, dstp)
    A, B = _k3(p, p, y3, dinv, b3.reshape(1, -1),
               Wf1[:_H], Wf1[_H:2 * _H])
    C = _k4(eap, Wf1[2 * _H:], bf1.reshape(1, -1))
    partials = _get_final_kernel()(A, B, C, Wf2.reshape(-1), srcp, dstp)
    out = _k5(partials, bf2.reshape(1, 1))
    return out[:_E]

# --- scband reference (transcript-rebuilt; emitter-appended) ---
"""Pipeline reference for scband-traffic-gnn-3109556322945 (READ-ONLY COPY).

The authoritative reference and input builder live on the scoring server;
editing this copy changes nothing except your own understanding.
"""

import jax, jax.numpy as jnp
import numpy as np

N = 10000
E = 320000
D_IN = 128
H = 128
D_EDGE = 16
D_OUT = 1


def setup_inputs(seed: int = 0) -> dict:
    key = jax.random.key(seed)
    ks = jax.random.split(key, 14)
    x = jax.random.normal(ks[0], (N, D_IN), dtype=jnp.float32)
    edge_index = jax.random.randint(ks[1], (2, E), 0, N, dtype=jnp.int32)
    edge_attr = jax.random.normal(ks[2], (E, D_EDGE), dtype=jnp.float32)
    s = 0.05
    W1 = jax.random.normal(ks[3], (D_IN, H), dtype=jnp.float32) * s
    b1 = jnp.zeros((H,), dtype=jnp.float32)
    W2 = jax.random.normal(ks[4], (H, H), dtype=jnp.float32) * s
    b2 = jnp.zeros((H,), dtype=jnp.float32)
    W3 = jax.random.normal(ks[5], (H, H), dtype=jnp.float32) * s
    b3 = jnp.zeros((H,), dtype=jnp.float32)
    Wf1 = jax.random.normal(ks[6], (2 * H + D_EDGE, H), dtype=jnp.float32) * s
    bf1 = jnp.zeros((H,), dtype=jnp.float32)
    Wf2 = jax.random.normal(ks[7], (H, D_OUT), dtype=jnp.float32) * s
    bf2 = jnp.zeros((D_OUT,), dtype=jnp.float32)
    return {"x": x, "edge_index": edge_index, "edge_attr": edge_attr,
            "W1": W1, "b1": b1, "W2": W2, "b2": b2, "W3": W3, "b3": b3,
            "Wf1": Wf1, "bf1": bf1, "Wf2": Wf2, "bf2": bf2}


def _gcn_conv(x, src, dst, W, b):
    # PyG GCNConv: add self-loops (done by caller), symmetric normalization
    xw = x @ W
    deg = jnp.zeros((N,), dtype=x.dtype).at[dst].add(1.0)
    dinv = jax.lax.rsqrt(jnp.maximum(deg, 1.0))
    norm = dinv[src] * dinv[dst]
    msg = xw[src] * norm[:, None]
    out = jnp.zeros((N, W.shape[1]), dtype=x.dtype).at[dst].add(msg)
    return out + b


def reference(x, edge_index, edge_attr, W1, b1, W2, b2, W3, b3, Wf1, bf1, Wf2, bf2):
    loop = jnp.arange(N, dtype=edge_index.dtype)
    src = jnp.concatenate([edge_index[0], loop])
    dst = jnp.concatenate([edge_index[1], loop])
    h = jax.nn.relu(_gcn_conv(x, src, dst, W1, b1))
    h = jax.nn.relu(_gcn_conv(h, src, dst, W2, b2))
    h = jax.nn.relu(_gcn_conv(h, src, dst, W3, b3))
    # dropout is identity in eval mode
    s, d = edge_index[0], edge_index[1]
    ef = jnp.concatenate([h[s], h[d], edge_attr], axis=1)
    hid = jax.nn.relu(ef @ Wf1 + bf1)
    return hid @ Wf2 + bf2

if __name__ == "__main__":
    import jax
    _d = setup_inputs()
    print(jax.jit(kernel)(*tuple(_d.values())))

</pallas_src>

<mosaic_0001>
#map = affine_map<(d0, d1) -> (0, 0)>
#map1 = affine_map<(d0, d1) -> (0)>
module attributes {stable_mosaic.version = 14 : i64} {
  func.func @_agg_body(%arg0: i32, %arg1: i32, %arg2: memref<10240x128xf32, #tpu.memory_space<hbm>>, %arg3: memref<323584xi32, #tpu.memory_space<hbm>>, %arg4: memref<323584xi32, #tpu.memory_space<hbm>>, %arg5: memref<20480x128xf32, #tpu.memory_space<hbm>>, %arg6: memref<128xi32, #tpu.memory_space<vmem>>, %arg7: memref<128xi32, #tpu.memory_space<vmem>>, %arg8: memref<128x128xf32, #tpu.memory_space<vmem>>, %arg9: memref<10240x128xf32, #tpu.memory_space<vmem_shared>>, %arg10: memref<!tpu.dma_semaphore, #tpu.memory_space<semaphore_mem>>) attributes {dimension_semantics = [#tpu.dimension_semantics<core_parallel>, #tpu.dimension_semantics<subcore_parallel>], iteration_bounds = array<i64: 2, 16>, scalar_prefetch = 0 : i64, scratch_operands = 5 : i64, tpu.core_type = #tpu.core_type<sc_vector_subcore>, window_params = [{transform_indices = #map}, {transform_indices = #map1}, {transform_indices = #map1}, {transform_indices = #map}]} {
    %mul3A = arith.constant 640 : i32
    %mul3A_0 = arith.muli %arg1, %mul3A : i32
    "tpu.region"() ({
      %run_scoped3A = tpu.sem_alloc : memref<!tpu.dma_semaphore, #tpu.memory_space<semaphore_mem>>
      %dma_start3A = arith.constant 0 : i32
      %dma_start3A_16 = tpu.memref_slice %arg9[%mul3A_0, %dma_start3A] : memref<10240x128xf32, #tpu.memory_space<vmem_shared>> -> memref<640x128xf32, #tpu.memory_space<vmem_shared>>
      %dma_start3A_17 = arith.constant 0 : i32
      %dma_start3A_18 = tpu.memref_slice %arg2[%mul3A_0, %dma_start3A_17] : memref<10240x128xf32, #tpu.memory_space<hbm>> -> memref<640x128xf32, #tpu.memory_space<hbm>>
      tpu.enqueue_dma source(%dma_start3A_18 : memref<640x128xf32, #tpu.memory_space<hbm>>) target(%dma_start3A_16 : memref<640x128xf32, #tpu.memory_space<vmem_shared>>) target_semaphore(%run_scoped3A : memref<!tpu.dma_semaphore, #tpu.memory_space<semaphore_mem>>)
      %dma_wait3A = arith.constant 0 : i32
      %dma_wait3A_19 = tpu.memref_slice %arg9[%mul3A_0, %dma_wait3A] : memref<10240x128xf32, #tpu.memory_space<vmem_shared>> -> memref<640x128xf32, #tpu.memory_space<vmem_shared>>
      %dma_wait3A_20 = arith.constant 0 : i32
      %dma_wait3A_21 = tpu.memref_slice %arg2[%mul3A_0, %dma_wait3A_20] : memref<10240x128xf32, #tpu.memory_space<hbm>> -> memref<640x128xf32, #tpu.memory_space<hbm>>
      tpu.wait_dma2 semaphore(%run_scoped3A : memref<!tpu.dma_semaphore, #tpu.memory_space<semaphore_mem>>) src(%dma_wait3A_21 : memref<640x128xf32, #tpu.memory_space<hbm>>) dst(%dma_wait3A_19 : memref<640x128xf32, #tpu.memory_space<vmem_shared>>)
      tpu.yield
    }) : () -> ()
    %barrier3A = arith.constant 0 : index
    tpu.barrier barrier_id(%barrier3A)
    %mul3A_1 = arith.constant 16 : i32
    %mul3A_2 = arith.muli %arg0, %mul3A_1 : i32
    %add3A = arith.addi %mul3A_2, %arg1 : i32
    %mul3A_3 = arith.constant 10112 : i32
    %mul3A_4 = arith.muli %add3A, %mul3A_3 : i32
    %scan3A = arith.constant 0 : i32
    %scan3A_5 = arith.constant 0 : i32
    %scan3A_6 = arith.constant 79 : i32
    %scan3A_7 = arith.addi %scan3A_5, %scan3A_6 : i32
    %scan3A_8 = arith.constant 1 : i32
    scf.for %scan3A_16 = %scan3A_5 to %scan3A_7 step %scan3A_8  : i32 {
      %mul3A_17 = arith.constant 128 : i32
      %mul3A_18 = arith.muli %scan3A_16, %mul3A_17 : i32
      %add3A_19 = arith.addi %mul3A_4, %mul3A_18 : i32
      "tpu.region"() ({
        %run_scoped3A = tpu.sem_alloc : memref<!tpu.dma_semaphore, #tpu.memory_space<semaphore_mem>>
        %dma_start3A_24 = tpu.memref_slice %arg3[%add3A_19] : memref<323584xi32, #tpu.memory_space<hbm>> -> memref<128xi32, #tpu.memory_space<hbm>>
        %dma_start3A_25 = tpu.memref_slice %arg3[%add3A_19] : memref<323584xi32, #tpu.memory_space<hbm>> -> memref<128xi32, #tpu.memory_space<hbm>>
        tpu.enqueue_dma source(%dma_start3A_25 : memref<128xi32, #tpu.memory_space<hbm>>) target(%arg6 : memref<128xi32, #tpu.memory_space<vmem>>) target_semaphore(%run_scoped3A : memref<!tpu.dma_semaphore, #tpu.memory_space<semaphore_mem>>)
        %dma_wait3A_26 = tpu.memref_slice %arg3[%add3A_19] : memref<323584xi32, #tpu.memory_space<hbm>> -> memref<128xi32, #tpu.memory_space<hbm>>
        %dma_wait3A_27 = tpu.memref_slice %arg3[%add3A_19] : memref<323584xi32, #tpu.memory_space<hbm>> -> memref<128xi32, #tpu.memory_space<hbm>>
        tpu.wait_dma2 semaphore(%run_scoped3A : memref<!tpu.dma_semaphore, #tpu.memory_space<semaphore_mem>>) src(%dma_wait3A_27 : memref<128xi32, #tpu.memory_space<hbm>>) dst(%arg6 : memref<128xi32, #tpu.memory_space<vmem>>)
        tpu.yield
      }) : () -> ()
      "tpu.region"() ({
        %run_scoped3A = tpu.sem_alloc : memref<!tpu.dma_semaphore, #tpu.memory_space<semaphore_mem>>
        %dma_start3A_24 = tpu.memref_slice %arg4[%add3A_19] : memref<323584xi32, #tpu.memory_space<hbm>> -> memref<128xi32, #tpu.memory_space<hbm>>
        %dma_start3A_25 = tpu.memref_slice %arg4[%add3A_19] : memref<323584xi32, #tpu.memory_space<hbm>> -> memref<128xi32, #tpu.memory_space<hbm>>
        tpu.enqueue_dma source(%dma_start3A_25 : memref<128xi32, #tpu.memory_space<hbm>>) target(%arg7 : memref<128xi32, #tpu.memory_space<vmem>>) target_semaphore(%run_scoped3A : memref<!tpu.dma_semaphore, #tpu.memory_space<semaphore_mem>>)
        %dma_wait3A_26 = tpu.memref_slice %arg4[%add3A_19] : memref<323584xi32, #tpu.memory_space<hbm>> -> memref<128xi32, #tpu.memory_space<hbm>>
        %dma_wait3A_27 = tpu.memref_slice %arg4[%add3A_19] : memref<323584xi32, #tpu.memory_space<hbm>> -> memref<128xi32, #tpu.memory_space<hbm>>
        tpu.wait_dma2 semaphore(%run_scoped3A : memref<!tpu.dma_semaphore, #tpu.memory_space<semaphore_mem>>) src(%dma_wait3A_27 : memref<128xi32, #tpu.memory_space<hbm>>) dst(%arg7 : memref<128xi32, #tpu.memory_space<vmem>>)
        tpu.yield
      }) : () -> ()
      %dma_start3A = arith.constant 0 : i32
      %dma_start3A_20 = arith.constant 0 : i32
      %dma_start3A_21 = tpu.memref_slice %arg2[%dma_start3A, %dma_start3A_20] : memref<10240x128xf32, #tpu.memory_space<hbm>> -> memref<10240x128xf32, #tpu.memory_space<hbm>>
      tpu.enqueue_indirect_dma source(%dma_start3A_21 : memref<10240x128xf32, #tpu.memory_space<hbm>>) target(%arg8 : memref<128x128xf32, #tpu.memory_space<vmem>>) offsets(%arg6 : memref<128xi32, #tpu.memory_space<vmem>>) semaphore(%arg10 : memref<!tpu.dma_semaphore, #tpu.memory_space<semaphore_mem>>)
      %dma_wait3A = arith.constant 0 : i32
      %dma_wait3A_22 = arith.constant 0 : i32
      %dma_wait3A_23 = tpu.memref_slice %arg2[%dma_wait3A, %dma_wait3A_22] : memref<10240x128xf32, #tpu.memory_space<hbm>> -> memref<10240x128xf32, #tpu.memory_space<hbm>>
      tpu.wait_indirect_dma semaphore(%arg10 : memref<!tpu.dma_semaphore, #tpu.memory_space<semaphore_mem>>) src(%dma_wait3A_23 : memref<10240x128xf32, #tpu.memory_space<hbm>>) dst(%arg8 : memref<128x128xf32, #tpu.memory_space<vmem>>)
      "tpu.region"() ({
        %run_scoped3A = tpu.sem_alloc : memref<!tpu.dma_semaphore, #tpu.memory_space<semaphore_mem>>
        %dma_start3A_24 = arith.constant 0 : i32
        %dma_start3A_25 = arith.constant 0 : i32
        %dma_start3A_26 = tpu.memref_slice %arg9[%dma_start3A_24, %dma_start3A_25] : memref<10240x128xf32, #tpu.memory_space<vmem_shared>> -> memref<10240x128xf32, #tpu.memory_space<vmem_shared>>
        tpu.enqueue_indirect_dma source(%arg8 : memref<128x128xf32, #tpu.memory_space<vmem>>) target(%dma_start3A_26 : memref<10240x128xf32, #tpu.memory_space<vmem_shared>>) offsets(%arg7 : memref<128xi32, #tpu.memory_space<vmem>>) semaphore(%run_scoped3A : memref<!tpu.dma_semaphore, #tpu.memory_space<semaphore_mem>>) {add = true}
        %dma_wait3A_27 = arith.constant 0 : i32
        %dma_wait3A_28 = arith.constant 0 : i32
        %dma_wait3A_29 = tpu.memref_slice %arg9[%dma_wait3A_27, %dma_wait3A_28] : memref<10240x128xf32, #tpu.memory_space<vmem_shared>> -> memref<10240x128xf32, #tpu.memory_space<vmem_shared>>
        tpu.wait_indirect_dma semaphore(%run_scoped3A : memref<!tpu.dma_semaphore, #tpu.memory_space<semaphore_mem>>) src(%arg8 : memref<128x128xf32, #tpu.memory_space<vmem>>) dst(%dma_wait3A_29 : memref<10240x128xf32, #tpu.memory_space<vmem_shared>>)
        tpu.yield
      }) : () -> ()
    }
    %scan3A_9 = arith.constant 79 : i32
    %barrier3A_10 = arith.constant 0 : index
    tpu.barrier barrier_id(%barrier3A_10)
    %mul3A_11 = arith.constant 10240 : i32
    %mul3A_12 = arith.muli %arg0, %mul3A_11 : i32
    %mul3A_13 = arith.constant 640 : i32
    %mul3A_14 = arith.muli %arg1, %mul3A_13 : i32
    %add3A_15 = arith.addi %mul3A_12, %mul3A_14 : i32
    "tpu.region"() ({
      %run_scoped3A = tpu.sem_alloc : memref<!tpu.dma_semaphore, #tpu.memory_space<semaphore_mem>>
      %dma_start3A = arith.constant 0 : i32
      %dma_start3A_16 = tpu.memref_slice %arg5[%add3A_15, %dma_start3A] : memref<20480x128xf32, #tpu.memory_space<hbm>> -> memref<640x128xf32, #tpu.memory_space<hbm>>
      %dma_start3A_17 = arith.constant 0 : i32
      %dma_start3A_18 = tpu.memref_slice %arg9[%mul3A_0, %dma_start3A_17] : memref<10240x128xf32, #tpu.memory_space<vmem_shared>> -> memref<640x128xf32, #tpu.memory_space<vmem_shared>>
      tpu.enqueue_dma source(%dma_start3A_18 : memref<640x128xf32, #tpu.memory_space<vmem_shared>>) target(%dma_start3A_16 : memref<640x128xf32, #tpu.memory_space<hbm>>) target_semaphore(%run_scoped3A : memref<!tpu.dma_semaphore, #tpu.memory_space<semaphore_mem>>)
      %dma_wait3A = arith.constant 0 : i32
      %dma_wait3A_19 = tpu.memref_slice %arg5[%add3A_15, %dma_wait3A] : memref<20480x128xf32, #tpu.memory_space<hbm>> -> memref<640x128xf32, #tpu.memory_space<hbm>>
      %dma_wait3A_20 = arith.constant 0 : i32
      %dma_wait3A_21 = tpu.memref_slice %arg9[%mul3A_0, %dma_wait3A_20] : memref<10240x128xf32, #tpu.memory_space<vmem_shared>> -> memref<640x128xf32, #tpu.memory_space<vmem_shared>>
      tpu.wait_dma2 semaphore(%run_scoped3A : memref<!tpu.dma_semaphore, #tpu.memory_space<semaphore_mem>>) src(%dma_wait3A_21 : memref<640x128xf32, #tpu.memory_space<vmem_shared>>) dst(%dma_wait3A_19 : memref<640x128xf32, #tpu.memory_space<hbm>>)
      tpu.yield
    }) : () -> ()
    return
  }
}

#map = affine_map<(d0, d1) -> (0, 0)>
#map1 = affine_map<(d0, d1) -> (0)>
module attributes {stable_mosaic.version = 14 : i64} {
  func.func @_agg_body(%arg0: i32, %arg1: i32, %arg2: memref<10240x128xf32, #tpu.memory_space<hbm>>, %arg3: memref<323584xi32, #tpu.memory_space<hbm>>, %arg4: memref<323584xi32, #tpu.memory_space<hbm>>, %arg5: memref<20480x128xf32, #tpu.memory_space<hbm>>, %arg6: memref<128xi32, #tpu.memory_space<vmem>>, %arg7: memref<128xi32, #tpu.memory_space<vmem>>, %arg8: memref<128x128xf32, #tpu.memory_space<vmem>>, %arg9: memref<10240x128xf32, #tpu.memory_space<vmem_shared>>, %arg10: memref<!tpu.dma_semaphore, #tpu.memory_space<semaphore_mem>>) attributes {dimension_semantics = [#tpu.dimension_semantics<core_parallel>, #tpu.dimension_semantics<subcore_parallel>], iteration_bounds = array<i64: 2, 16>, scalar_prefetch = 0 : i64, scratch_operands = 5 : i64, tpu.core_type = #tpu.core_type<sc_vector_subcore>, window_params = [{transform_indices = #map}, {transform_indices = #map1}, {transform_indices = #map1}, {transform_indices = #map}]} {
    %mul3A = arith.constant 640 : i32
    %mul3A_0 = arith.muli %arg1, %mul3A : i32
    "tpu.region"() ({
      %run_scoped3A = tpu.sem_alloc : memref<!tpu.dma_semaphore, #tpu.memory_space<semaphore_mem>>
      %dma_start3A = arith.constant 0 : i32
      %dma_start3A_16 = tpu.memref_slice %arg9[%mul3A_0, %dma_start3A] : memref<10240x128xf32, #tpu.memory_space<vmem_shared>> -> memref<640x128xf32, #tpu.memory_space<vmem_shared>>
      %dma_start3A_17 = arith.constant 0 : i32
      %dma_start3A_18 = tpu.memref_slice %arg2[%mul3A_0, %dma_start3A_17] : memref<10240x128xf32, #tpu.memory_space<hbm>> -> memref<640x128xf32, #tpu.memory_space<hbm>>
      tpu.enqueue_dma source(%dma_start3A_18 : memref<640x128xf32, #tpu.memory_space<hbm>>) target(%dma_start3A_16 : memref<640x128xf32, #tpu.memory_space<vmem_shared>>) target_semaphore(%run_scoped3A : memref<!tpu.dma_semaphore, #tpu.memory_space<semaphore_mem>>)
      %dma_wait3A = arith.constant 0 : i32
      %dma_wait3A_19 = tpu.memref_slice %arg9[%mul3A_0, %dma_wait3A] : memref<10240x128xf32, #tpu.memory_space<vmem_shared>> -> memref<640x128xf32, #tpu.memory_space<vmem_shared>>
      %dma_wait3A_20 = arith.constant 0 : i32
      %dma_wait3A_21 = tpu.memref_slice %arg2[%mul3A_0, %dma_wait3A_20] : memref<10240x128xf32, #tpu.memory_space<hbm>> -> memref<640x128xf32, #tpu.memory_space<hbm>>
      tpu.wait_dma2 semaphore(%run_scoped3A : memref<!tpu.dma_semaphore, #tpu.memory_space<semaphore_mem>>) src(%dma_wait3A_21 : memref<640x128xf32, #tpu.memory_space<hbm>>) dst(%dma_wait3A_19 : memref<640x128xf32, #tpu.memory_space<vmem_shared>>)
      tpu.yield
    }) : () -> ()
    %barrier3A = arith.constant 0 : index
    tpu.barrier barrier_id(%barrier3A)
    %mul3A_1 = arith.constant 16 : i32
    %mul3A_2 = arith.muli %arg0, %mul3A_1 : i32
    %add3A = arith.addi %mul3A_2, %arg1 : i32
    %mul3A_3 = arith.constant 10112 : i32
    %mul3A_4 = arith.muli %add3A, %mul3A_3 : i32
    %scan3A = arith.constant 0 : i32
    %scan3A_5 = arith.constant 0 : i32
    %scan3A_6 = arith.constant 79 : i32
    %scan3A_7 = arith.addi %scan3A_5, %scan3A_6 : i32
    %scan3A_8 = arith.constant 1 : i32
    scf.for %scan3A_16 = %scan3A_5 to %scan3A_7 step %scan3A_8  : i32 {
      %mul3A_17 = arith.constant 128 : i32
      %mul3A_18 = arith.muli %scan3A_16, %mul3A_17 : i32
      %add3A_19 = arith.addi %mul3A_4, %mul3A_18 : i32
      "tpu.region"() ({
        %run_scoped3A = tpu.sem_alloc : memref<!tpu.dma_semaphore, #tpu.memory_space<semaphore_mem>>
        %dma_start3A_24 = tpu.memref_slice %arg3[%add3A_19] : memref<323584xi32, #tpu.memory_space<hbm>> -> memref<128xi32, #tpu.memory_space<hbm>>
        %dma_start3A_25 = tpu.memref_slice %arg3[%add3A_19] : memref<323584xi32, #tpu.memory_space<hbm>> -> memref<128xi32, #tpu.memory_space<hbm>>
        tpu.enqueue_dma source(%dma_start3A_25 : memref<128xi32, #tpu.memory_space<hbm>>) target(%arg6 : memref<128xi32, #tpu.memory_space<vmem>>) target_semaphore(%run_scoped3A : memref<!tpu.dma_semaphore, #tpu.memory_space<semaphore_mem>>)
        %dma_wait3A_26 = tpu.memref_slice %arg3[%add3A_19] : memref<323584xi32, #tpu.memory_space<hbm>> -> memref<128xi32, #tpu.memory_space<hbm>>
        %dma_wait3A_27 = tpu.memref_slice %arg3[%add3A_19] : memref<323584xi32, #tpu.memory_space<hbm>> -> memref<128xi32, #tpu.memory_space<hbm>>
        tpu.wait_dma2 semaphore(%run_scoped3A : memref<!tpu.dma_semaphore, #tpu.memory_space<semaphore_mem>>) src(%dma_wait3A_27 : memref<128xi32, #tpu.memory_space<hbm>>) dst(%arg6 : memref<128xi32, #tpu.memory_space<vmem>>)
        tpu.yield
      }) : () -> ()
      "tpu.region"() ({
        %run_scoped3A = tpu.sem_alloc : memref<!tpu.dma_semaphore, #tpu.memory_space<semaphore_mem>>
        %dma_start3A_24 = tpu.memref_slice %arg4[%add3A_19] : memref<323584xi32, #tpu.memory_space<hbm>> -> memref<128xi32, #tpu.memory_space<hbm>>
        %dma_start3A_25 = tpu.memref_slice %arg4[%add3A_19] : memref<323584xi32, #tpu.memory_space<hbm>> -> memref<128xi32, #tpu.memory_space<hbm>>
        tpu.enqueue_dma source(%dma_start3A_25 : memref<128xi32, #tpu.memory_space<hbm>>) target(%arg7 : memref<128xi32, #tpu.memory_space<vmem>>) target_semaphore(%run_scoped3A : memref<!tpu.dma_semaphore, #tpu.memory_space<semaphore_mem>>)
        %dma_wait3A_26 = tpu.memref_slice %arg4[%add3A_19] : memref<323584xi32, #tpu.memory_space<hbm>> -> memref<128xi32, #tpu.memory_space<hbm>>
        %dma_wait3A_27 = tpu.memref_slice %arg4[%add3A_19] : memref<323584xi32, #tpu.memory_space<hbm>> -> memref<128xi32, #tpu.memory_space<hbm>>
        tpu.wait_dma2 semaphore(%run_scoped3A : memref<!tpu.dma_semaphore, #tpu.memory_space<semaphore_mem>>) src(%dma_wait3A_27 : memref<128xi32, #tpu.memory_space<hbm>>) dst(%arg7 : memref<128xi32, #tpu.memory_space<vmem>>)
        tpu.yield
      }) : () -> ()
      %dma_start3A = arith.constant 0 : i32
      %dma_start3A_20 = arith.constant 0 : i32
      %dma_start3A_21 = tpu.memref_slice %arg2[%dma_start3A, %dma_start3A_20] : memref<10240x128xf32, #tpu.memory_space<hbm>> -> memref<10240x128xf32, #tpu.memory_space<hbm>>
      tpu.enqueue_indirect_dma source(%dma_start3A_21 : memref<10240x128xf32, #tpu.memory_space<hbm>>) target(%arg8 : memref<128x128xf32, #tpu.memory_space<vmem>>) offsets(%arg6 : memref<128xi32, #tpu.memory_space<vmem>>) semaphore(%arg10 : memref<!tpu.dma_semaphore, #tpu.memory_space<semaphore_mem>>)
      %dma_wait3A = arith.constant 0 : i32
      %dma_wait3A_22 = arith.constant 0 : i32
      %dma_wait3A_23 = tpu.memref_slice %arg2[%dma_wait3A, %dma_wait3A_22] : memref<10240x128xf32, #tpu.memory_space<hbm>> -> memref<10240x128xf32, #tpu.memory_space<hbm>>
      tpu.wait_indirect_dma semaphore(%arg10 : memref<!tpu.dma_semaphore, #tpu.memory_space<semaphore_mem>>) src(%dma_wait3A_23 : memref<10240x128xf32, #tpu.memory_space<hbm>>) dst(%arg8 : memref<128x128xf32, #tpu.memory_space<vmem>>)
      "tpu.region"() ({
        %run_scoped3A = tpu.sem_alloc : memref<!tpu.dma_semaphore, #tpu.memory_space<semaphore_mem>>
        %dma_start3A_24 = arith.constant 0 : i32
        %dma_start3A_25 = arith.constant 0 : i32
        %dma_start3A_26 = tpu.memref_slice %arg9[%dma_start3A_24, %dma_start3A_25] : memref<10240x128xf32, #tpu.memory_space<vmem_shared>> -> memref<10240x128xf32, #tpu.memory_space<vmem_shared>>
        tpu.enqueue_indirect_dma source(%arg8 : memref<128x128xf32, #tpu.memory_space<vmem>>) target(%dma_start3A_26 : memref<10240x128xf32, #tpu.memory_space<vmem_shared>>) offsets(%arg7 : memref<128xi32, #tpu.memory_space<vmem>>) semaphore(%run_scoped3A : memref<!tpu.dma_semaphore, #tpu.memory_space<semaphore_mem>>) {add = true}
        %dma_wait3A_27 = arith.constant 0 : i32
        %dma_wait3A_28 = arith.constant 0 : i32
        %dma_wait3A_29 = tpu.memref_slice %arg9[%dma_wait3A_27, %dma_wait3A_28] : memref<10240x128xf32, #tpu.memory_space<vmem_shared>> -> memref<10240x128xf32, #tpu.memory_space<vmem_shared>>
        tpu.wait_indirect_dma semaphore(%run_scoped3A : memref<!tpu.dma_semaphore, #tpu.memory_space<semaphore_mem>>) src(%arg8 : memref<128x128xf32, #tpu.memory_space<vmem>>) dst(%dma_wait3A_29 : memref<10240x128xf32, #tpu.memory_space<vmem_shared>>)
        tpu.yield
      }) : () -> ()
    }
    %scan3A_9 = arith.constant 79 : i32
    %barrier3A_10 = arith.constant 0 : index
    tpu.barrier barrier_id(%barrier3A_10)
    %mul3A_11 = arith.constant 10240 : i32
    %mul3A_12 = arith.muli %arg0, %mul3A_11 : i32
    %mul3A_13 = arith.constant 640 : i32
    %mul3A_14 = arith.muli %arg1, %mul3A_13 : i32
    %add3A_15 = arith.addi %mul3A_12, %mul3A_14 : i32
    "tpu.region"() ({
      %run_scoped3A = tpu.sem_alloc : memref<!tpu.dma_semaphore, #tpu.memory_space<semaphore_mem>>
      %dma_start3A = arith.constant 0 : i32
      %dma_start3A_16 = tpu.memref_slice %arg5[%add3A_15, %dma_start3A] : memref<20480x128xf32, #tpu.memory_space<hbm>> -> memref<640x128xf32, #tpu.memory_space<hbm>>
      %dma_start3A_17 = arith.constant 0 : i32
      %dma_start3A_18 = tpu.memref_slice %arg9[%mul3A_0, %dma_start3A_17] : memref<10240x128xf32, #tpu.memory_space<vmem_shared>> -> memref<640x128xf32, #tpu.memory_space<vmem_shared>>
      tpu.enqueue_dma source(%dma_start3A_18 : memref<640x128xf32, #tpu.memory_space<vmem_shared>>) target(%dma_start3A_16 : memref<640x128xf32, #tpu.memory_space<hbm>>) target_semaphore(%run_scoped3A : memref<!tpu.dma_semaphore, #tpu.memory_space<semaphore_mem>>)
      %dma_wait3A = arith.constant 0 : i32
      %dma_wait3A_19 = tpu.memref_slice %arg5[%add3A_15, %dma_wait3A] : memref<20480x128xf32, #tpu.memory_space<hbm>> -> memref<640x128xf32, #tpu.memory_space<hbm>>
      %dma_wait3A_20 = arith.constant 0 : i32
      %dma_wait3A_21 = tpu.memref_slice %arg9[%mul3A_0, %dma_wait3A_20] : memref<10240x128xf32, #tpu.memory_space<vmem_shared>> -> memref<640x128xf32, #tpu.memory_space<vmem_shared>>
      tpu.wait_dma2 semaphore(%run_scoped3A : memref<!tpu.dma_semaphore, #tpu.memory_space<semaphore_mem>>) src(%dma_wait3A_21 : memref<640x128xf32, #tpu.memory_space<vmem_shared>>) dst(%dma_wait3A_19 : memref<640x128xf32, #tpu.memory_space<hbm>>)
      tpu.yield
    }) : () -> ()
    return
  }
}

#map = affine_map<(d0, d1) -> (0)>
module attributes {stable_mosaic.version = 14 : i64} {
  func.func @_deg_body(%arg0: i32, %arg1: i32, %arg2: memref<323584xi32, #tpu.memory_space<hbm>>, %arg3: memref<10240xf32, #tpu.memory_space<hbm>>, %arg4: memref<128xf32, #tpu.memory_space<hbm>>, %arg5: memref<20480xf32, #tpu.memory_space<hbm>>, %arg6: memref<128xi32, #tpu.memory_space<vmem>>, %arg7: memref<128xf32, #tpu.memory_space<vmem>>, %arg8: memref<10240xf32, #tpu.memory_space<vmem_shared>>) attributes {dimension_semantics = [#tpu.dimension_semantics<core_parallel>, #tpu.dimension_semantics<subcore_parallel>], iteration_bounds = array<i64: 2, 16>, scalar_prefetch = 0 : i64, scratch_operands = 3 : i64, tpu.core_type = #tpu.core_type<sc_vector_subcore>, window_params = [{transform_indices = #map}, {transform_indices = #map}, {transform_indices = #map}, {transform_indices = #map}]} {
    %mul3A = arith.constant 640 : i32
    %mul3A_0 = arith.muli %arg1, %mul3A : i32
    "tpu.region"() ({
      %run_scoped3A = tpu.sem_alloc : memref<!tpu.dma_semaphore, #tpu.memory_space<semaphore_mem>>
      tpu.enqueue_dma source(%arg4 : memref<128xf32, #tpu.memory_space<hbm>>) target(%arg7 : memref<128xf32, #tpu.memory_space<vmem>>) target_semaphore(%run_scoped3A : memref<!tpu.dma_semaphore, #tpu.memory_space<semaphore_mem>>)
      tpu.wait_dma2 semaphore(%run_scoped3A : memref<!tpu.dma_semaphore, #tpu.memory_space<semaphore_mem>>) src(%arg4 : memref<128xf32, #tpu.memory_space<hbm>>) dst(%arg7 : memref<128xf32, #tpu.memory_space<vmem>>)
      tpu.yield
    }) : () -> ()
    "tpu.region"() ({
      %run_scoped3A = tpu.sem_alloc : memref<!tpu.dma_semaphore, #tpu.memory_space<semaphore_mem>>
      %dma_start3A = tpu.memref_slice %arg8[%mul3A_0] : memref<10240xf32, #tpu.memory_space<vmem_shared>> -> memref<640xf32, #tpu.memory_space<vmem_shared>>
      %dma_start3A_16 = tpu.memref_slice %arg3[%mul3A_0] : memref<10240xf32, #tpu.memory_space<hbm>> -> memref<640xf32, #tpu.memory_space<hbm>>
      tpu.enqueue_dma source(%dma_start3A_16 : memref<640xf32, #tpu.memory_space<hbm>>) target(%dma_start3A : memref<640xf32, #tpu.memory_space<vmem_shared>>) target_semaphore(%run_scoped3A : memref<!tpu.dma_semaphore, #tpu.memory_space<semaphore_mem>>)
      %dma_wait3A = tpu.memref_slice %arg8[%mul3A_0] : memref<10240xf32, #tpu.memory_space<vmem_shared>> -> memref<640xf32, #tpu.memory_space<vmem_shared>>
      %dma_wait3A_17 = tpu.memref_slice %arg3[%mul3A_0] : memref<10240xf32, #tpu.memory_space<hbm>> -> memref<640xf32, #tpu.memory_space<hbm>>
      tpu.wait_dma2 semaphore(%run_scoped3A : memref<!tpu.dma_semaphore, #tpu.memory_space<semaphore_mem>>) src(%dma_wait3A_17 : memref<640xf32, #tpu.memory_space<hbm>>) dst(%dma_wait3A : memref<640xf32, #tpu.memory_space<vmem_shared>>)
      tpu.yield
    }) : () -> ()
    %barrier3A = arith.constant 0 : index
    tpu.barrier barrier_id(%barrier3A)
    %mul3A_1 = arith.constant 16 : i32
    %mul3A_2 = arith.muli %arg0, %mul3A_1 : i32
    %add3A = arith.addi %mul3A_2, %arg1 : i32
    %mul3A_3 = arith.constant 10112 : i32
    %mul3A_4 = arith.muli %add3A, %mul3A_3 : i32
    %scan3A = arith.constant 0 : i32
    %scan3A_5 = arith.constant 0 : i32
    %scan3A_6 = arith.constant 79 : i32
    %scan3A_7 = arith.addi %scan3A_5, %scan3A_6 : i32
    %scan3A_8 = arith.constant 1 : i32
    scf.for %scan3A_16 = %scan3A_5 to %scan3A_7 step %scan3A_8  : i32 {
      %mul3A_17 = arith.constant 128 : i32
      %mul3A_18 = arith.muli %scan3A_16, %mul3A_17 : i32
      %add3A_19 = arith.addi %mul3A_4, %mul3A_18 : i32
      "tpu.region"() ({
        %run_scoped3A = tpu.sem_alloc : memref<!tpu.dma_semaphore, #tpu.memory_space<semaphore_mem>>
        %dma_start3A = tpu.memref_slice %arg2[%add3A_19] : memref<323584xi32, #tpu.memory_space<hbm>> -> memref<128xi32, #tpu.memory_space<hbm>>
        %dma_start3A_20 = tpu.memref_slice %arg2[%add3A_19] : memref<323584xi32, #tpu.memory_space<hbm>> -> memref<128xi32, #tpu.memory_space<hbm>>
        tpu.enqueue_dma source(%dma_start3A_20 : memref<128xi32, #tpu.memory_space<hbm>>) target(%arg6 : memref<128xi32, #tpu.memory_space<vmem>>) target_semaphore(%run_scoped3A : memref<!tpu.dma_semaphore, #tpu.memory_space<semaphore_mem>>)
        %dma_wait3A = tpu.memref_slice %arg2[%add3A_19] : memref<323584xi32, #tpu.memory_space<hbm>> -> memref<128xi32, #tpu.memory_space<hbm>>
        %dma_wait3A_21 = tpu.memref_slice %arg2[%add3A_19] : memref<323584xi32, #tpu.memory_space<hbm>> -> memref<128xi32, #tpu.memory_space<hbm>>
        tpu.wait_dma2 semaphore(%run_scoped3A : memref<!tpu.dma_semaphore, #tpu.memory_space<semaphore_mem>>) src(%dma_wait3A_21 : memref<128xi32, #tpu.memory_space<hbm>>) dst(%arg6 : memref<128xi32, #tpu.memory_space<vmem>>)
        tpu.yield
      }) : () -> ()
      "tpu.region"() ({
        %run_scoped3A = tpu.sem_alloc : memref<!tpu.dma_semaphore, #tpu.memory_space<semaphore_mem>>
        %dma_start3A = arith.constant 0 : i32
        %dma_start3A_20 = tpu.memref_slice %arg8[%dma_start3A] : memref<10240xf32, #tpu.memory_space<vmem_shared>> -> memref<10240xf32, #tpu.memory_space<vmem_shared>>
        tpu.enqueue_indirect_dma source(%arg7 : memref<128xf32, #tpu.memory_space<vmem>>) target(%dma_start3A_20 : memref<10240xf32, #tpu.memory_space<vmem_shared>>) offsets(%arg6 : memref<128xi32, #tpu.memory_space<vmem>>) semaphore(%run_scoped3A : memref<!tpu.dma_semaphore, #tpu.memory_space<semaphore_mem>>) {add = true}
        %dma_wait3A = arith.constant 0 : i32
        %dma_wait3A_21 = tpu.memref_slice %arg8[%dma_wait3A] : memref<10240xf32, #tpu.memory_space<vmem_shared>> -> memref<10240xf32, #tpu.memory_space<vmem_shared>>
        tpu.wait_indirect_dma semaphore(%run_scoped3A : memref<!tpu.dma_semaphore, #tpu.memory_space<semaphore_mem>>) src(%arg7 : memref<128xf32, #tpu.memory_space<vmem>>) dst(%dma_wait3A_21 : memref<10240xf32, #tpu.memory_space<vmem_shared>>)
        tpu.yield
      }) : () -> ()
    }
    %scan3A_9 = arith.constant 79 : i32
    %barrier3A_10 = arith.constant 0 : index
    tpu.barrier barrier_id(%barrier3A_10)
    %mul3A_11 = arith.constant 10240 : i32
    %mul3A_12 = arith.muli %arg0, %mul3A_11 : i32
    %mul3A_13 = arith.constant 640 : i32
    %mul3A_14 = arith.muli %arg1, %mul3A_13 : i32
    %add3A_15 = arith.addi %mul3A_12, %mul3A_14 : i32
    "tpu.region"() ({
      %run_scoped3A = tpu.sem_alloc : memref<!tpu.dma_semaphore, #tpu.memory_space<semaphore_mem>>
      %dma_start3A = tpu.memref_slice %arg5[%add3A_15] : memref<20480xf32, #tpu.memory_space<hbm>> -> memref<640xf32, #tpu.memory_space<hbm>>
      %dma_start3A_16 = tpu.memref_slice %arg8[%mul3A_0] : memref<10240xf32, #tpu.memory_space<vmem_shared>> -> memref<640xf32, #tpu.memory_space<vmem_shared>>
      tpu.enqueue_dma source(%dma_start3A_16 : memref<640xf32, #tpu.memory_space<vmem_shared>>) target(%dma_start3A : memref<640xf32, #tpu.memory_space<hbm>>) target_semaphore(%run_scoped3A : memref<!tpu.dma_semaphore, #tpu.memory_space<semaphore_mem>>)
      %dma_wait3A = tpu.memref_slice %arg5[%add3A_15] : memref<20480xf32, #tpu.memory_space<hbm>> -> memref<640xf32, #tpu.memory_space<hbm>>
      %dma_wait3A_17 = tpu.memref_slice %arg8[%mul3A_0] : memref<10240xf32, #tpu.memory_space<vmem_shared>> -> memref<640xf32, #tpu.memory_space<vmem_shared>>
      tpu.wait_dma2 semaphore(%run_scoped3A : memref<!tpu.dma_semaphore, #tpu.memory_space<semaphore_mem>>) src(%dma_wait3A_17 : memref<640xf32, #tpu.memory_space<vmem_shared>>) dst(%dma_wait3A : memref<640xf32, #tpu.memory_space<hbm>>)
      tpu.yield
    }) : () -> ()
    return
  }
}

#map = affine_map<(d0, d1) -> (0, 0)>
#map1 = affine_map<(d0, d1) -> (0)>
module attributes {stable_mosaic.version = 14 : i64} {
  func.func @_agg_body(%arg0: i32, %arg1: i32, %arg2: memref<10240x128xf32, #tpu.memory_space<hbm>>, %arg3: memref<323584xi32, #tpu.memory_space<hbm>>, %arg4: memref<323584xi32, #tpu.memory_space<hbm>>, %arg5: memref<20480x128xf32, #tpu.memory_space<hbm>>, %arg6: memref<128xi32, #tpu.memory_space<vmem>>, %arg7: memref<128xi32, #tpu.memory_space<vmem>>, %arg8: memref<128x128xf32, #tpu.memory_space<vmem>>, %arg9: memref<10240x128xf32, #tpu.memory_space<vmem_shared>>, %arg10: memref<!tpu.dma_semaphore, #tpu.memory_space<semaphore_mem>>) attributes {dimension_semantics = [#tpu.dimension_semantics<core_parallel>, #tpu.dimension_semantics<subcore_parallel>], iteration_bounds = array<i64: 2, 16>, scalar_prefetch = 0 : i64, scratch_operands = 5 : i64, tpu.core_type = #tpu.core_type<sc_vector_subcore>, window_params = [{transform_indices = #map}, {transform_indices = #map1}, {transform_indices = #map1}, {transform_indices = #map}]} {
    %mul3A = arith.constant 640 : i32
    %mul3A_0 = arith.muli %arg1, %mul3A : i32
    "tpu.region"() ({
      %run_scoped3A = tpu.sem_alloc : memref<!tpu.dma_semaphore, #tpu.memory_space<semaphore_mem>>
      %dma_start3A = arith.constant 0 : i32
      %dma_start3A_16 = tpu.memref_slice %arg9[%mul3A_0, %dma_start3A] : memref<10240x128xf32, #tpu.memory_space<vmem_shared>> -> memref<640x128xf32, #tpu.memory_space<vmem_shared>>
      %dma_start3A_17 = arith.constant 0 : i32
      %dma_start3A_18 = tpu.memref_slice %arg2[%mul3A_0, %dma_start3A_17] : memref<10240x128xf32, #tpu.memory_space<hbm>> -> memref<640x128xf32, #tpu.memory_space<hbm>>
      tpu.enqueue_dma source(%dma_start3A_18 : memref<640x128xf32, #tpu.memory_space<hbm>>) target(%dma_start3A_16 : memref<640x128xf32, #tpu.memory_space<vmem_shared>>) target_semaphore(%run_scoped3A : memref<!tpu.dma_semaphore, #tpu.memory_space<semaphore_mem>>)
      %dma_wait3A = arith.constant 0 : i32
      %dma_wait3A_19 = tpu.memref_slice %arg9[%mul3A_0, %dma_wait3A] : memref<10240x128xf32, #tpu.memory_space<vmem_shared>> -> memref<640x128xf32, #tpu.memory_space<vmem_shared>>
      %dma_wait3A_20 = arith.constant 0 : i32
      %dma_wait3A_21 = tpu.memref_slice %arg2[%mul3A_0, %dma_wait3A_20] : memref<10240x128xf32, #tpu.memory_space<hbm>> -> memref<640x128xf32, #tpu.memory_space<hbm>>
      tpu.wait_dma2 semaphore(%run_scoped3A : memref<!tpu.dma_semaphore, #tpu.memory_space<semaphore_mem>>) src(%dma_wait3A_21 : memref<640x128xf32, #tpu.memory_space<hbm>>) dst(%dma_wait3A_19 : memref<640x128xf32, #tpu.memory_space<vmem_shared>>)
      tpu.yield
    }) : () -> ()
    %barrier3A = arith.constant 0 : index
    tpu.barrier barrier_id(%barrier3A)
    %mul3A_1 = arith.constant 16 : i32
    %mul3A_2 = arith.muli %arg0, %mul3A_1 : i32
    %add3A = arith.addi %mul3A_2, %arg1 : i32
    %mul3A_3 = arith.constant 10112 : i32
    %mul3A_4 = arith.muli %add3A, %mul3A_3 : i32
    %scan3A = arith.constant 0 : i32
    %scan3A_5 = arith.constant 0 : i32
    %scan3A_6 = arith.constant 79 : i32
    %scan3A_7 = arith.addi %scan3A_5, %scan3A_6 : i32
    %scan3A_8 = arith.constant 1 : i32
    scf.for %scan3A_16 = %scan3A_5 to %scan3A_7 step %scan3A_8  : i32 {
      %mul3A_17 = arith.constant 128 : i32
      %mul3A_18 = arith.muli %scan3A_16, %mul3A_17 : i32
      %add3A_19 = arith.addi %mul3A_4, %mul3A_18 : i32
      "tpu.region"() ({
        %run_scoped3A = tpu.sem_alloc : memref<!tpu.dma_semaphore, #tpu.memory_space<semaphore_mem>>
        %dma_start3A_24 = tpu.memref_slice %arg3[%add3A_19] : memref<323584xi32, #tpu.memory_space<hbm>> -> memref<128xi32, #tpu.memory_space<hbm>>
        %dma_start3A_25 = tpu.memref_slice %arg3[%add3A_19] : memref<323584xi32, #tpu.memory_space<hbm>> -> memref<128xi32, #tpu.memory_space<hbm>>
        tpu.enqueue_dma source(%dma_start3A_25 : memref<128xi32, #tpu.memory_space<hbm>>) target(%arg6 : memref<128xi32, #tpu.memory_space<vmem>>) target_semaphore(%run_scoped3A : memref<!tpu.dma_semaphore, #tpu.memory_space<semaphore_mem>>)
        %dma_wait3A_26 = tpu.memref_slice %arg3[%add3A_19] : memref<323584xi32, #tpu.memory_space<hbm>> -> memref<128xi32, #tpu.memory_space<hbm>>
        %dma_wait3A_27 = tpu.memref_slice %arg3[%add3A_19] : memref<323584xi32, #tpu.memory_space<hbm>> -> memref<128xi32, #tpu.memory_space<hbm>>
        tpu.wait_dma2 semaphore(%run_scoped3A : memref<!tpu.dma_semaphore, #tpu.memory_space<semaphore_mem>>) src(%dma_wait3A_27 : memref<128xi32, #tpu.memory_space<hbm>>) dst(%arg6 : memref<128xi32, #tpu.memory_space<vmem>>)
        tpu.yield
      }) : () -> ()
      "tpu.region"() ({
        %run_scoped3A = tpu.sem_alloc : memref<!tpu.dma_semaphore, #tpu.memory_space<semaphore_mem>>
        %dma_start3A_24 = tpu.memref_slice %arg4[%add3A_19] : memref<323584xi32, #tpu.memory_space<hbm>> -> memref<128xi32, #tpu.memory_space<hbm>>
        %dma_start3A_25 = tpu.memref_slice %arg4[%add3A_19] : memref<323584xi32, #tpu.memory_space<hbm>> -> memref<128xi32, #tpu.memory_space<hbm>>
        tpu.enqueue_dma source(%dma_start3A_25 : memref<128xi32, #tpu.memory_space<hbm>>) target(%arg7 : memref<128xi32, #tpu.memory_space<vmem>>) target_semaphore(%run_scoped3A : memref<!tpu.dma_semaphore, #tpu.memory_space<semaphore_mem>>)
        %dma_wait3A_26 = tpu.memref_slice %arg4[%add3A_19] : memref<323584xi32, #tpu.memory_space<hbm>> -> memref<128xi32, #tpu.memory_space<hbm>>
        %dma_wait3A_27 = tpu.memref_slice %arg4[%add3A_19] : memref<323584xi32, #tpu.memory_space<hbm>> -> memref<128xi32, #tpu.memory_space<hbm>>
        tpu.wait_dma2 semaphore(%run_scoped3A : memref<!tpu.dma_semaphore, #tpu.memory_space<semaphore_mem>>) src(%dma_wait3A_27 : memref<128xi32, #tpu.memory_space<hbm>>) dst(%arg7 : memref<128xi32, #tpu.memory_space<vmem>>)
        tpu.yield
      }) : () -> ()
      %dma_start3A = arith.constant 0 : i32
      %dma_start3A_20 = arith.constant 0 : i32
      %dma_start3A_21 = tpu.memref_slice %arg2[%dma_start3A, %dma_start3A_20] : memref<10240x128xf32, #tpu.memory_space<hbm>> -> memref<10240x128xf32, #tpu.memory_space<hbm>>
      tpu.enqueue_indirect_dma source(%dma_start3A_21 : memref<10240x128xf32, #tpu.memory_space<hbm>>) target(%arg8 : memref<128x128xf32, #tpu.memory_space<vmem>>) offsets(%arg6 : memref<128xi32, #tpu.memory_space<vmem>>) semaphore(%arg10 : memref<!tpu.dma_semaphore, #tpu.memory_space<semaphore_mem>>)
      %dma_wait3A = arith.constant 0 : i32
      %dma_wait3A_22 = arith.constant 0 : i32
      %dma_wait3A_23 = tpu.memref_slice %arg2[%dma_wait3A, %dma_wait3A_22] : memref<10240x128xf32, #tpu.memory_space<hbm>> -> memref<10240x128xf32, #tpu.memory_space<hbm>>
      tpu.wait_indirect_dma semaphore(%arg10 : memref<!tpu.dma_semaphore, #tpu.memory_space<semaphore_mem>>) src(%dma_wait3A_23 : memref<10240x128xf32, #tpu.memory_space<hbm>>) dst(%arg8 : memref<128x128xf32, #tpu.memory_space<vmem>>)
      "tpu.region"() ({
        %run_scoped3A = tpu.sem_alloc : memref<!tpu.dma_semaphore, #tpu.memory_space<semaphore_mem>>
        %dma_start3A_24 = arith.constant 0 : i32
        %dma_start3A_25 = arith.constant 0 : i32
        %dma_start3A_26 = tpu.memref_slice %arg9[%dma_start3A_24, %dma_start3A_25] : memref<10240x128xf32, #tpu.memory_space<vmem_shared>> -> memref<10240x128xf32, #tpu.memory_space<vmem_shared>>
        tpu.enqueue_indirect_dma source(%arg8 : memref<128x128xf32, #tpu.memory_space<vmem>>) target(%dma_start3A_26 : memref<10240x128xf32, #tpu.memory_space<vmem_shared>>) offsets(%arg7 : memref<128xi32, #tpu.memory_space<vmem>>) semaphore(%run_scoped3A : memref<!tpu.dma_semaphore, #tpu.memory_space<semaphore_mem>>) {add = true}
        %dma_wait3A_27 = arith.constant 0 : i32
        %dma_wait3A_28 = arith.constant 0 : i32
        %dma_wait3A_29 = tpu.memref_slice %arg9[%dma_wait3A_27, %dma_wait3A_28] : memref<10240x128xf32, #tpu.memory_space<vmem_shared>> -> memref<10240x128xf32, #tpu.memory_space<vmem_shared>>
        tpu.wait_indirect_dma semaphore(%run_scoped3A : memref<!tpu.dma_semaphore, #tpu.memory_space<semaphore_mem>>) src(%arg8 : memref<128x128xf32, #tpu.memory_space<vmem>>) dst(%dma_wait3A_29 : memref<10240x128xf32, #tpu.memory_space<vmem_shared>>)
        tpu.yield
      }) : () -> ()
    }
    %scan3A_9 = arith.constant 79 : i32
    %barrier3A_10 = arith.constant 0 : index
    tpu.barrier barrier_id(%barrier3A_10)
    %mul3A_11 = arith.constant 10240 : i32
    %mul3A_12 = arith.muli %arg0, %mul3A_11 : i32
    %mul3A_13 = arith.constant 640 : i32
    %mul3A_14 = arith.muli %arg1, %mul3A_13 : i32
    %add3A_15 = arith.addi %mul3A_12, %mul3A_14 : i32
    "tpu.region"() ({
      %run_scoped3A = tpu.sem_alloc : memref<!tpu.dma_semaphore, #tpu.memory_space<semaphore_mem>>
      %dma_start3A = arith.constant 0 : i32
      %dma_start3A_16 = tpu.memref_slice %arg5[%add3A_15, %dma_start3A] : memref<20480x128xf32, #tpu.memory_space<hbm>> -> memref<640x128xf32, #tpu.memory_space<hbm>>
      %dma_start3A_17 = arith.constant 0 : i32
      %dma_start3A_18 = tpu.memref_slice %arg9[%mul3A_0, %dma_start3A_17] : memref<10240x128xf32, #tpu.memory_space<vmem_shared>> -> memref<640x128xf32, #tpu.memory_space<vmem_shared>>
      tpu.enqueue_dma source(%dma_start3A_18 : memref<640x128xf32, #tpu.memory_space<vmem_shared>>) target(%dma_start3A_16 : memref<640x128xf32, #tpu.memory_space<hbm>>) target_semaphore(%run_scoped3A : memref<!tpu.dma_semaphore, #tpu.memory_space<semaphore_mem>>)
      %dma_wait3A = arith.constant 0 : i32
      %dma_wait3A_19 = tpu.memref_slice %arg5[%add3A_15, %dma_wait3A] : memref<20480x128xf32, #tpu.memory_space<hbm>> -> memref<640x128xf32, #tpu.memory_space<hbm>>
      %dma_wait3A_20 = arith.constant 0 : i32
      %dma_wait3A_21 = tpu.memref_slice %arg9[%mul3A_0, %dma_wait3A_20] : memref<10240x128xf32, #tpu.memory_space<vmem_shared>> -> memref<640x128xf32, #tpu.memory_space<vmem_shared>>
      tpu.wait_dma2 semaphore(%run_scoped3A : memref<!tpu.dma_semaphore, #tpu.memory_space<semaphore_mem>>) src(%dma_wait3A_21 : memref<640x128xf32, #tpu.memory_space<vmem_shared>>) dst(%dma_wait3A_19 : memref<640x128xf32, #tpu.memory_space<hbm>>)
      tpu.yield
    }) : () -> ()
    return
  }
}

#map = affine_map<(d0, d1) -> (0, 0)>
#map1 = affine_map<(d0, d1) -> (0)>
module attributes {stable_mosaic.version = 14 : i64} {
  func.func @_final_body(%arg0: i32, %arg1: i32, %arg2: memref<10240x128xf32, #tpu.memory_space<hbm>>, %arg3: memref<10240x128xf32, #tpu.memory_space<hbm>>, %arg4: memref<323584x128xf32, #tpu.memory_space<hbm>>, %arg5: memref<128xf32, #tpu.memory_space<hbm>>, %arg6: memref<323584xi32, #tpu.memory_space<hbm>>, %arg7: memref<323584xi32, #tpu.memory_space<hbm>>, %arg8: memref<323584x16xf32, #tpu.memory_space<hbm>>, %arg9: memref<128xi32, #tpu.memory_space<vmem>>, %arg10: memref<128xi32, #tpu.memory_space<vmem>>, %arg11: memref<128x128xf32, #tpu.memory_space<vmem>>, %arg12: memref<128x128xf32, #tpu.memory_space<vmem>>, %arg13: memref<128x128xf32, #tpu.memory_space<vmem>>, %arg14: memref<128xf32, #tpu.memory_space<vmem>>, %arg15: memref<128x16xf32, #tpu.memory_space<vmem>>, %arg16: memref<!tpu.dma_semaphore, #tpu.memory_space<semaphore_mem>>) attributes {dimension_semantics = [#tpu.dimension_semantics<core_parallel>, #tpu.dimension_semantics<subcore_parallel>], iteration_bounds = array<i64: 2, 16>, scalar_prefetch = 0 : i64, scratch_operands = 8 : i64, tpu.core_type = #tpu.core_type<sc_vector_subcore>, window_params = [{transform_indices = #map}, {transform_indices = #map}, {transform_indices = #map}, {transform_indices = #map1}, {transform_indices = #map1}, {transform_indices = #map1}, {transform_indices = #map}]} {
    "tpu.region"() ({
      %run_scoped3A = tpu.sem_alloc : memref<!tpu.dma_semaphore, #tpu.memory_space<semaphore_mem>>
      tpu.enqueue_dma source(%arg5 : memref<128xf32, #tpu.memory_space<hbm>>) target(%arg14 : memref<128xf32, #tpu.memory_space<vmem>>) target_semaphore(%run_scoped3A : memref<!tpu.dma_semaphore, #tpu.memory_space<semaphore_mem>>)
      tpu.wait_dma2 semaphore(%run_scoped3A : memref<!tpu.dma_semaphore, #tpu.memory_space<semaphore_mem>>) src(%arg5 : memref<128xf32, #tpu.memory_space<hbm>>) dst(%arg14 : memref<128xf32, #tpu.memory_space<vmem>>)
      tpu.yield
    }) : () -> ()
    %mul3A = arith.constant 16 : i32
    %mul3A_0 = arith.muli %arg0, %mul3A : i32
    %add3A = arith.addi %mul3A_0, %arg1 : i32
    %mul3A_1 = arith.constant 10112 : i32
    %mul3A_2 = arith.muli %add3A, %mul3A_1 : i32
    %scan3A = arith.constant 0 : i32
    %scan3A_3 = arith.constant 0 : i32
    %scan3A_4 = arith.constant 79 : i32
    %scan3A_5 = arith.addi %scan3A_3, %scan3A_4 : i32
    %scan3A_6 = arith.constant 1 : i32
    scf.for %scan3A_8 = %scan3A_3 to %scan3A_5 step %scan3A_6  : i32 {
      %mul3A_9 = arith.constant 128 : i32
      %mul3A_10 = arith.muli %scan3A_8, %mul3A_9 : i32
      %add3A_11 = arith.addi %mul3A_2, %mul3A_10 : i32
      "tpu.region"() ({
        %run_scoped3A = tpu.sem_alloc : memref<!tpu.dma_semaphore, #tpu.memory_space<semaphore_mem>>
        %dma_start3A_28 = tpu.memref_slice %arg6[%add3A_11] : memref<323584xi32, #tpu.memory_space<hbm>> -> memref<128xi32, #tpu.memory_space<hbm>>
        %dma_start3A_29 = tpu.memref_slice %arg6[%add3A_11] : memref<323584xi32, #tpu.memory_space<hbm>> -> memref<128xi32, #tpu.memory_space<hbm>>
        tpu.enqueue_dma source(%dma_start3A_29 : memref<128xi32, #tpu.memory_space<hbm>>) target(%arg9 : memref<128xi32, #tpu.memory_space<vmem>>) target_semaphore(%run_scoped3A : memref<!tpu.dma_semaphore, #tpu.memory_space<semaphore_mem>>)
        %dma_wait3A_30 = tpu.memref_slice %arg6[%add3A_11] : memref<323584xi32, #tpu.memory_space<hbm>> -> memref<128xi32, #tpu.memory_space<hbm>>
        %dma_wait3A_31 = tpu.memref_slice %arg6[%add3A_11] : memref<323584xi32, #tpu.memory_space<hbm>> -> memref<128xi32, #tpu.memory_space<hbm>>
        tpu.wait_dma2 semaphore(%run_scoped3A : memref<!tpu.dma_semaphore, #tpu.memory_space<semaphore_mem>>) src(%dma_wait3A_31 : memref<128xi32, #tpu.memory_space<hbm>>) dst(%arg9 : memref<128xi32, #tpu.memory_space<vmem>>)
        tpu.yield
      }) : () -> ()
      "tpu.region"() ({
        %run_scoped3A = tpu.sem_alloc : memref<!tpu.dma_semaphore, #tpu.memory_space<semaphore_mem>>
        %dma_start3A_28 = tpu.memref_slice %arg7[%add3A_11] : memref<323584xi32, #tpu.memory_space<hbm>> -> memref<128xi32, #tpu.memory_space<hbm>>
        %dma_start3A_29 = tpu.memref_slice %arg7[%add3A_11] : memref<323584xi32, #tpu.memory_space<hbm>> -> memref<128xi32, #tpu.memory_space<hbm>>
        tpu.enqueue_dma source(%dma_start3A_29 : memref<128xi32, #tpu.memory_space<hbm>>) target(%arg10 : memref<128xi32, #tpu.memory_space<vmem>>) target_semaphore(%run_scoped3A : memref<!tpu.dma_semaphore, #tpu.memory_space<semaphore_mem>>)
        %dma_wait3A_30 = tpu.memref_slice %arg7[%add3A_11] : memref<323584xi32, #tpu.memory_space<hbm>> -> memref<128xi32, #tpu.memory_space<hbm>>
        %dma_wait3A_31 = tpu.memref_slice %arg7[%add3A_11] : memref<323584xi32, #tpu.memory_space<hbm>> -> memref<128xi32, #tpu.memory_space<hbm>>
        tpu.wait_dma2 semaphore(%run_scoped3A : memref<!tpu.dma_semaphore, #tpu.memory_space<semaphore_mem>>) src(%dma_wait3A_31 : memref<128xi32, #tpu.memory_space<hbm>>) dst(%arg10 : memref<128xi32, #tpu.memory_space<vmem>>)
        tpu.yield
      }) : () -> ()
      %dma_start3A = arith.constant 0 : i32
      %dma_start3A_12 = arith.constant 0 : i32
      %dma_start3A_13 = tpu.memref_slice %arg2[%dma_start3A, %dma_start3A_12] : memref<10240x128xf32, #tpu.memory_space<hbm>> -> memref<10240x128xf32, #tpu.memory_space<hbm>>
      tpu.enqueue_indirect_dma source(%dma_start3A_13 : memref<10240x128xf32, #tpu.memory_space<hbm>>) target(%arg11 : memref<128x128xf32, #tpu.memory_space<vmem>>) offsets(%arg9 : memref<128xi32, #tpu.memory_space<vmem>>) semaphore(%arg16 : memref<!tpu.dma_semaphore, #tpu.memory_space<semaphore_mem>>)
      %dma_wait3A = arith.constant 0 : i32
      %dma_wait3A_14 = arith.constant 0 : i32
      %dma_wait3A_15 = tpu.memref_slice %arg2[%dma_wait3A, %dma_wait3A_14] : memref<10240x128xf32, #tpu.memory_space<hbm>> -> memref<10240x128xf32, #tpu.memory_space<hbm>>
      tpu.wait_indirect_dma semaphore(%arg16 : memref<!tpu.dma_semaphore, #tpu.memory_space<semaphore_mem>>) src(%dma_wait3A_15 : memref<10240x128xf32, #tpu.memory_space<hbm>>) dst(%arg11 : memref<128x128xf32, #tpu.memory_space<vmem>>)
      %dma_start3A_16 = arith.constant 0 : i32
      %dma_start3A_17 = arith.constant 0 : i32
      %dma_start3A_18 = tpu.memref_slice %arg3[%dma_start3A_16, %dma_start3A_17] : memref<10240x128xf32, #tpu.memory_space<hbm>> -> memref<10240x128xf32, #tpu.memory_space<hbm>>
      tpu.enqueue_indirect_dma source(%dma_start3A_18 : memref<10240x128xf32, #tpu.memory_space<hbm>>) target(%arg12 : memref<128x128xf32, #tpu.memory_space<vmem>>) offsets(%arg10 : memref<128xi32, #tpu.memory_space<vmem>>) semaphore(%arg16 : memref<!tpu.dma_semaphore, #tpu.memory_space<semaphore_mem>>)
      %dma_wait3A_19 = arith.constant 0 : i32
      %dma_wait3A_20 = arith.constant 0 : i32
      %dma_wait3A_21 = tpu.memref_slice %arg3[%dma_wait3A_19, %dma_wait3A_20] : memref<10240x128xf32, #tpu.memory_space<hbm>> -> memref<10240x128xf32, #tpu.memory_space<hbm>>
      tpu.wait_indirect_dma semaphore(%arg16 : memref<!tpu.dma_semaphore, #tpu.memory_space<semaphore_mem>>) src(%dma_wait3A_21 : memref<10240x128xf32, #tpu.memory_space<hbm>>) dst(%arg12 : memref<128x128xf32, #tpu.memory_space<vmem>>)
      "tpu.region"() ({
        %run_scoped3A = tpu.sem_alloc : memref<!tpu.dma_semaphore, #tpu.memory_space<semaphore_mem>>
        %dma_start3A_28 = arith.constant 0 : i32
        %dma_start3A_29 = tpu.memref_slice %arg4[%add3A_11, %dma_start3A_28] : memref<323584x128xf32, #tpu.memory_space<hbm>> -> memref<128x128xf32, #tpu.memory_space<hbm>>
        %dma_start3A_30 = arith.constant 0 : i32
        %dma_start3A_31 = tpu.memref_slice %arg4[%add3A_11, %dma_start3A_30] : memref<323584x128xf32, #tpu.memory_space<hbm>> -> memref<128x128xf32, #tpu.memory_space<hbm>>
        tpu.enqueue_dma source(%dma_start3A_31 : memref<128x128xf32, #tpu.memory_space<hbm>>) target(%arg13 : memref<128x128xf32, #tpu.memory_space<vmem>>) target_semaphore(%run_scoped3A : memref<!tpu.dma_semaphore, #tpu.memory_space<semaphore_mem>>)
        %dma_wait3A_32 = arith.constant 0 : i32
        %dma_wait3A_33 = tpu.memref_slice %arg4[%add3A_11, %dma_wait3A_32] : memref<323584x128xf32, #tpu.memory_space<hbm>> -> memref<128x128xf32, #tpu.memory_space<hbm>>
        %dma_wait3A_34 = arith.constant 0 : i32
        %dma_wait3A_35 = tpu.memref_slice %arg4[%add3A_11, %dma_wait3A_34] : memref<323584x128xf32, #tpu.memory_space<hbm>> -> memref<128x128xf32, #tpu.memory_space<hbm>>
        tpu.wait_dma2 semaphore(%run_scoped3A : memref<!tpu.dma_semaphore, #tpu.memory_space<semaphore_mem>>) src(%dma_wait3A_35 : memref<128x128xf32, #tpu.memory_space<hbm>>) dst(%arg13 : memref<128x128xf32, #tpu.memory_space<vmem>>)
        tpu.yield
      }) : () -> ()
      %scan3A_22 = arith.constant 0 : i32
      %scan3A_23 = arith.constant 0 : i32
      %scan3A_24 = arith.constant 128 : i32
      %scan3A_25 = arith.addi %scan3A_23, %scan3A_24 : i32
      %scan3A_26 = arith.constant 1 : i32
      scf.for %scan3A_28 = %scan3A_23 to %scan3A_25 step %scan3A_26  : i32 {
        %broadcast_in_dim3A = arith.constant 0.000000e+00 : f32
        %broadcast_in_dim3A_29 = vector.broadcast %broadcast_in_dim3A : f32 to vector<16xf32>
        %get3A = arith.index_cast %scan3A_28 : i32 to index
        %get3A_30 = arith.constant 0 : index
        %get3A_31 = tpu.vector_load %arg11[%get3A, %get3A_30] {strides = array<i32>} : memref<128x128xf32, #tpu.memory_space<vmem>>, vector<1x16xf32>,
        %get3A_32 = vector.shape_cast %get3A_31 : vector<1x16xf32> to vector<16xf32>
        %get3A_33 = arith.index_cast %scan3A_28 : i32 to index
        %get3A_34 = arith.constant 0 : index
        %get3A_35 = tpu.vector_load %arg12[%get3A_33, %get3A_34] {strides = array<i32>} : memref<128x128xf32, #tpu.memory_space<vmem>>, vector<1x16xf32>,
        %get3A_36 = vector.shape_cast %get3A_35 : vector<1x16xf32> to vector<16xf32>
        %add3A_37 = arith.addf %get3A_32, %get3A_36 : vector<16xf32>
        %get3A_38 = arith.index_cast %scan3A_28 : i32 to index
        %get3A_39 = arith.constant 0 : index
        %get3A_40 = tpu.vector_load %arg13[%get3A_38, %get3A_39] {strides = array<i32>} : memref<128x128xf32, #tpu.memory_space<vmem>>, vector<1x16xf32>,
        %get3A_41 = vector.shape_cast %get3A_40 : vector<1x16xf32> to vector<16xf32>
        %add3A_42 = arith.addf %add3A_37, %get3A_41 : vector<16xf32>
        %max3A = arith.constant 0.000000e+00 : f32
        %max3A_43 = vector.broadcast %max3A : f32 to vector<16xf32>
        %max3A_44 = arith.maximumf %add3A_42, %max3A_43 : vector<16xf32>
        %get3A_45 = arith.constant 0 : index
        %get3A_46 = tpu.vector_load %arg14[%get3A_45] {strides = array<i32>} : memref<128xf32, #tpu.memory_space<vmem>>, vector<16xf32>,
        %get3A_47 = vector.shape_cast %get3A_46 : vector<16xf32> to vector<16xf32>
        %mul3A_48 = arith.mulf %max3A_44, %get3A_47 : vector<16xf32>
        %add3A_49 = arith.addf %broadcast_in_dim3A_29, %mul3A_48 : vector<16xf32>
        %get3A_50 = arith.index_cast %scan3A_28 : i32 to index
        %get3A_51 = arith.constant 16 : index
        %get3A_52 = tpu.vector_load %arg11[%get3A_50, %get3A_51] {strides = array<i32>} : memref<128x128xf32, #tpu.memory_space<vmem>>, vector<1x16xf32>,
        %get3A_53 = vector.shape_cast %get3A_52 : vector<1x16xf32> to vector<16xf32>
        %get3A_54 = arith.index_cast %scan3A_28 : i32 to index
        %get3A_55 = arith.constant 16 : index
        %get3A_56 = tpu.vector_load %arg12[%get3A_54, %get3A_55] {strides = array<i32>} : memref<128x128xf32, #tpu.memory_space<vmem>>, vector<1x16xf32>,
        %get3A_57 = vector.shape_cast %get3A_56 : vector<1x16xf32> to vector<16xf32>
        %add3A_58 = arith.addf %get3A_53, %get3A_57 : vector<16xf32>
        %get3A_59 = arith.index_cast %scan3A_28 : i32 to index
        %get3A_60 = arith.constant 16 : index
        %get3A_61 = tpu.vector_load %arg13[%get3A_59, %get3A_60] {strides = array<i32>} : memref<128x128xf32, #tpu.memory_space<vmem>>, vector<1x16xf32>,
        %get3A_62 = vector.shape_cast %get3A_61 : vector<1x16xf32> to vector<16xf32>
        %add3A_63 = arith.addf %add3A_58, %get3A_62 : vector<16xf32>
        %max3A_64 = arith.constant 0.000000e+00 : f32
        %max3A_65 = vector.broadcast %max3A_64 : f32 to vector<16xf32>
        %max3A_66 = arith.maximumf %add3A_63, %max3A_65 : vector<16xf32>
        %get3A_67 = arith.constant 16 : index
        %get3A_68 = tpu.vector_load %arg14[%get3A_67] {strides = array<i32>} : memref<128xf32, #tpu.memory_space<vmem>>, vector<16xf32>,
        %get3A_69 = vector.shape_cast %get3A_68 : vector<16xf32> to vector<16xf32>
        %mul3A_70 = arith.mulf %max3A_66, %get3A_69 : vector<16xf32>
        %add3A_71 = arith.addf %add3A_49, %mul3A_70 : vector<16xf32>
        %get3A_72 = arith.index_cast %scan3A_28 : i32 to index
        %get3A_73 = arith.constant 32 : index
        %get3A_74 = tpu.vector_load %arg11[%get3A_72, %get3A_73] {strides = array<i32>} : memref<128x128xf32, #tpu.memory_space<vmem>>, vector<1x16xf32>,
        %get3A_75 = vector.shape_cast %get3A_74 : vector<1x16xf32> to vector<16xf32>
        %get3A_76 = arith.index_cast %scan3A_28 : i32 to index
        %get3A_77 = arith.constant 32 : index
        %get3A_78 = tpu.vector_load %arg12[%get3A_76, %get3A_77] {strides = array<i32>} : memref<128x128xf32, #tpu.memory_space<vmem>>, vector<1x16xf32>,
        %get3A_79 = vector.shape_cast %get3A_78 : vector<1x16xf32> to vector<16xf32>
        %add3A_80 = arith.addf %get3A_75, %get3A_79 : vector<16xf32>
        %get3A_81 = arith.index_cast %scan3A_28 : i32 to index
        %get3A_82 = arith.constant 32 : index
        %get3A_83 = tpu.vector_load %arg13[%get3A_81, %get3A_82] {strides = array<i32>} : memref<128x128xf32, #tpu.memory_space<vmem>>, vector<1x16xf32>,
        %get3A_84 = vector.shape_cast %get3A_83 : vector<1x16xf32> to vector<16xf32>
        %add3A_85 = arith.addf %add3A_80, %get3A_84 : vector<16xf32>
        %max3A_86 = arith.constant 0.000000e+00 : f32
        %max3A_87 = vector.broadcast %max3A_86 : f32 to vector<16xf32>
        %max3A_88 = arith.maximumf %add3A_85, %max3A_87 : vector<16xf32>
        %get3A_89 = arith.constant 32 : index
        %get3A_90 = tpu.vector_load %arg14[%get3A_89] {strides = array<i32>} : memref<128xf32, #tpu.memory_space<vmem>>, vector<16xf32>,
        %get3A_91 = vector.shape_cast %get3A_90 : vector<16xf32> to vector<16xf32>
        %mul3A_92 = arith.mulf %max3A_88, %get3A_91 : vector<16xf32>
        %add3A_93 = arith.addf %add3A_71, %mul3A_92 : vector<16xf32>
        %get3A_94 = arith.index_cast %scan3A_28 : i32 to index
        %get3A_95 = arith.constant 48 : index
        %get3A_96 = tpu.vector_load %arg11[%get3A_94, %get3A_95] {strides = array<i32>} : memref<128x128xf32, #tpu.memory_space<vmem>>, vector<1x16xf32>,
        %get3A_97 = vector.shape_cast %get3A_96 : vector<1x16xf32> to vector<16xf32>
        %get3A_98 = arith.index_cast %scan3A_28 : i32 to index
        %get3A_99 = arith.constant 48 : index
        %get3A_100 = tpu.vector_load %arg12[%get3A_98, %get3A_99] {strides = array<i32>} : memref<128x128xf32, #tpu.memory_space<vmem>>, vector<1x16xf32>,
        %get3A_101 = vector.shape_cast %get3A_100 : vector<1x16xf32> to vector<16xf32>
        %add3A_102 = arith.addf %get3A_97, %get3A_101 : vector<16xf32>
        %get3A_103 = arith.index_cast %scan3A_28 : i32 to index
        %get3A_104 = arith.constant 48 : index
        %get3A_105 = tpu.vector_load %arg13[%get3A_103, %get3A_104] {strides = array<i32>} : memref<128x128xf32, #tpu.memory_space<vmem>>, vector<1x16xf32>,
        %get3A_106 = vector.shape_cast %get3A_105 : vector<1x16xf32> to vector<16xf32>
        %add3A_107 = arith.addf %add3A_102, %get3A_106 : vector<16xf32>
        %max3A_108 = arith.constant 0.000000e+00 : f32
        %max3A_109 = vector.broadcast %max3A_108 : f32 to vector<16xf32>
        %max3A_110 = arith.maximumf %add3A_107, %max3A_109 : vector<16xf32>
        %get3A_111 = arith.constant 48 : index
        %get3A_112 = tpu.vector_load %arg14[%get3A_111] {strides = array<i32>} : memref<128xf32, #tpu.memory_space<vmem>>, vector<16xf32>,
        %get3A_113 = vector.shape_cast %get3A_112 : vector<16xf32> to vector<16xf32>
        %mul3A_114 = arith.mulf %max3A_110, %get3A_113 : vector<16xf32>
        %add3A_115 = arith.addf %add3A_93, %mul3A_114 : vector<16xf32>
        %get3A_116 = arith.index_cast %scan3A_28 : i32 to index
        %get3A_117 = arith.constant 64 : index
        %get3A_118 = tpu.vector_load %arg11[%get3A_116, %get3A_117] {strides = array<i32>} : memref<128x128xf32, #tpu.memory_space<vmem>>, vector<1x16xf32>,
        %get3A_119 = vector.shape_cast %get3A_118 : vector<1x16xf32> to vector<16xf32>
        %get3A_120 = arith.index_cast %scan3A_28 : i32 to index
        %get3A_121 = arith.constant 64 : index
        %get3A_122 = tpu.vector_load %arg12[%get3A_120, %get3A_121] {strides = array<i32>} : memref<128x128xf32, #tpu.memory_space<vmem>>, vector<1x16xf32>,
        %get3A_123 = vector.shape_cast %get3A_122 : vector<1x16xf32> to vector<16xf32>
        %add3A_124 = arith.addf %get3A_119, %get3A_123 : vector<16xf32>
        %get3A_125 = arith.index_cast %scan3A_28 : i32 to index
        %get3A_126 = arith.constant 64 : index
        %get3A_127 = tpu.vector_load %arg13[%get3A_125, %get3A_126] {strides = array<i32>} : memref<128x128xf32, #tpu.memory_space<vmem>>, vector<1x16xf32>,
        %get3A_128 = vector.shape_cast %get3A_127 : vector<1x16xf32> to vector<16xf32>
        %add3A_129 = arith.addf %add3A_124, %get3A_128 : vector<16xf32>
        %max3A_130 = arith.constant 0.000000e+00 : f32
        %max3A_131 = vector.broadcast %max3A_130 : f32 to vector<16xf32>
        %max3A_132 = arith.maximumf %add3A_129, %max3A_131 : vector<16xf32>
        %get3A_133 = arith.constant 64 : index
        %get3A_134 = tpu.vector_load %arg14[%get3A_133] {strides = array<i32>} : memref<128xf32, #tpu.memory_space<vmem>>, vector<16xf32>,
        %get3A_135 = vector.shape_cast %get3A_134 : vector<16xf32> to vector<16xf32>
        %mul3A_136 = arith.mulf %max3A_132, %get3A_135 : vector<16xf32>
        %add3A_137 = arith.addf %add3A_115, %mul3A_136 : vector<16xf32>
        %get3A_138 = arith.index_cast %scan3A_28 : i32 to index
        %get3A_139 = arith.constant 80 : index
        %get3A_140 = tpu.vector_load %arg11[%get3A_138, %get3A_139] {strides = array<i32>} : memref<128x128xf32, #tpu.memory_space<vmem>>, vector<1x16xf32>,
        %get3A_141 = vector.shape_cast %get3A_140 : vector<1x16xf32> to vector<16xf32>
        %get3A_142 = arith.index_cast %scan3A_28 : i32 to index
        %get3A_143 = arith.constant 80 : index
        %get3A_144 = tpu.vector_load %arg12[%get3A_142, %get3A_143] {strides = array<i32>} : memref<128x128xf32, #tpu.memory_space<vmem>>, vector<1x16xf32>,
        %get3A_145 = vector.shape_cast %get3A_144 : vector<1x16xf32> to vector<16xf32>
        %add3A_146 = arith.addf %get3A_141, %get3A_145 : vector<16xf32>
        %get3A_147 = arith.index_cast %scan3A_28 : i32 to index
        %get3A_148 = arith.constant 80 : index
        %get3A_149 = tpu.vector_load %arg13[%get3A_147, %get3A_148] {strides = array<i32>} : memref<128x128xf32, #tpu.memory_space<vmem>>, vector<1x16xf32>,
        %get3A_150 = vector.shape_cast %get3A_149 : vector<1x16xf32> to vector<16xf32>
        %add3A_151 = arith.addf %add3A_146, %get3A_150 : vector<16xf32>
        %max3A_152 = arith.constant 0.000000e+00 : f32
        %max3A_153 = vector.broadcast %max3A_152 : f32 to vector<16xf32>
        %max3A_154 = arith.maximumf %add3A_151, %max3A_153 : vector<16xf32>
        %get3A_155 = arith.constant 80 : index
        %get3A_156 = tpu.vector_load %arg14[%get3A_155] {strides = array<i32>} : memref<128xf32, #tpu.memory_space<vmem>>, vector<16xf32>,
        %get3A_157 = vector.shape_cast %get3A_156 : vector<16xf32> to vector<16xf32>
        %mul3A_158 = arith.mulf %max3A_154, %get3A_157 : vector<16xf32>
        %add3A_159 = arith.addf %add3A_137, %mul3A_158 : vector<16xf32>
        %get3A_160 = arith.index_cast %scan3A_28 : i32 to index
        %get3A_161 = arith.constant 96 : index
        %get3A_162 = tpu.vector_load %arg11[%get3A_160, %get3A_161] {strides = array<i32>} : memref<128x128xf32, #tpu.memory_space<vmem>>, vector<1x16xf32>,
        %get3A_163 = vector.shape_cast %get3A_162 : vector<1x16xf32> to vector<16xf32>
        %get3A_164 = arith.index_cast %scan3A_28 : i32 to index
        %get3A_165 = arith.constant 96 : index
        %get3A_166 = tpu.vector_load %arg12[%get3A_164, %get3A_165] {strides = array<i32>} : memref<128x128xf32, #tpu.memory_space<vmem>>, vector<1x16xf32>,
        %get3A_167 = vector.shape_cast %get3A_166 : vector<1x16xf32> to vector<16xf32>
        %add3A_168 = arith.addf %get3A_163, %get3A_167 : vector<16xf32>
        %get3A_169 = arith.index_cast %scan3A_28 : i32 to index
        %get3A_170 = arith.constant 96 : index
        %get3A_171 = tpu.vector_load %arg13[%get3A_169, %get3A_170] {strides = array<i32>} : memref<128x128xf32, #tpu.memory_space<vmem>>, vector<1x16xf32>,
        %get3A_172 = vector.shape_cast %get3A_171 : vector<1x16xf32> to vector<16xf32>
        %add3A_173 = arith.addf %add3A_168, %get3A_172 : vector<16xf32>
        %max3A_174 = arith.constant 0.000000e+00 : f32
        %max3A_175 = vector.broadcast %max3A_174 : f32 to vector<16xf32>
        %max3A_176 = arith.maximumf %add3A_173, %max3A_175 : vector<16xf32>
        %get3A_177 = arith.constant 96 : index
        %get3A_178 = tpu.vector_load %arg14[%get3A_177] {strides = array<i32>} : memref<128xf32, #tpu.memory_space<vmem>>, vector<16xf32>,
        %get3A_179 = vector.shape_cast %get3A_178 : vector<16xf32> to vector<16xf32>
        %mul3A_180 = arith.mulf %max3A_176, %get3A_179 : vector<16xf32>
        %add3A_181 = arith.addf %add3A_159, %mul3A_180 : vector<16xf32>
        %get3A_182 = arith.index_cast %scan3A_28 : i32 to index
        %get3A_183 = arith.constant 112 : index
        %get3A_184 = tpu.vector_load %arg11[%get3A_182, %get3A_183] {strides = array<i32>} : memref<128x128xf32, #tpu.memory_space<vmem>>, vector<1x16xf32>,
        %get3A_185 = vector.shape_cast %get3A_184 : vector<1x16xf32> to vector<16xf32>
        %get3A_186 = arith.index_cast %scan3A_28 : i32 to index
        %get3A_187 = arith.constant 112 : index
        %get3A_188 = tpu.vector_load %arg12[%get3A_186, %get3A_187] {strides = array<i32>} : memref<128x128xf32, #tpu.memory_space<vmem>>, vector<1x16xf32>,
        %get3A_189 = vector.shape_cast %get3A_188 : vector<1x16xf32> to vector<16xf32>
        %add3A_190 = arith.addf %get3A_185, %get3A_189 : vector<16xf32>
        %get3A_191 = arith.index_cast %scan3A_28 : i32 to index
        %get3A_192 = arith.constant 112 : index
        %get3A_193 = tpu.vector_load %arg13[%get3A_191, %get3A_192] {strides = array<i32>} : memref<128x128xf32, #tpu.memory_space<vmem>>, vector<1x16xf32>,
        %get3A_194 = vector.shape_cast %get3A_193 : vector<1x16xf32> to vector<16xf32>
        %add3A_195 = arith.addf %add3A_190, %get3A_194 : vector<16xf32>
        %max3A_196 = arith.constant 0.000000e+00 : f32
        %max3A_197 = vector.broadcast %max3A_196 : f32 to vector<16xf32>
        %max3A_198 = arith.maximumf %add3A_195, %max3A_197 : vector<16xf32>
        %get3A_199 = arith.constant 112 : index
        %get3A_200 = tpu.vector_load %arg14[%get3A_199] {strides = array<i32>} : memref<128xf32, #tpu.memory_space<vmem>>, vector<16xf32>,
        %get3A_201 = vector.shape_cast %get3A_200 : vector<16xf32> to vector<16xf32>
        %mul3A_202 = arith.mulf %max3A_198, %get3A_201 : vector<16xf32>
        %add3A_203 = arith.addf %add3A_181, %mul3A_202 : vector<16xf32>
        %swap3A = arith.index_cast %scan3A_28 : i32 to index
        %swap3A_204 = arith.constant 0 : index
        %swap3A_205 = tpu.vector_load %arg15[%swap3A, %swap3A_204] {strides = array<i32>} : memref<128x16xf32, #tpu.memory_space<vmem>>, vector<1x16xf32>,
        %swap3A_206 = vector.shape_cast %swap3A_205 : vector<1x16xf32> to vector<16xf32>
        %swap3A_207 = vector.shape_cast %add3A_203 : vector<16xf32> to vector<1x16xf32>
        tpu.vector_store %arg15[%swap3A, %swap3A_204], %swap3A_207 {strides = array<i32>} : memref<128x16xf32, #tpu.memory_space<vmem>>, vector<1x16xf32>,
      }
      %scan3A_27 = arith.constant 128 : i32
      "tpu.region"() ({
        %run_scoped3A = tpu.sem_alloc : memref<!tpu.dma_semaphore, #tpu.memory_space<semaphore_mem>>
        %dma_start3A_28 = arith.constant 0 : i32
        %dma_start3A_29 = tpu.memref_slice %arg8[%add3A_11, %dma_start3A_28] : memref<323584x16xf32, #tpu.memory_space<hbm>> -> memref<128x16xf32, #tpu.memory_space<hbm>>
        %dma_start3A_30 = arith.constant 0 : i32
        %dma_start3A_31 = tpu.memref_slice %arg8[%add3A_11, %dma_start3A_30] : memref<323584x16xf32, #tpu.memory_space<hbm>> -> memref<128x16xf32, #tpu.memory_space<hbm>>
        tpu.enqueue_dma source(%arg15 : memref<128x16xf32, #tpu.memory_space<vmem>>) target(%dma_start3A_31 : memref<128x16xf32, #tpu.memory_space<hbm>>) target_semaphore(%run_scoped3A : memref<!tpu.dma_semaphore, #tpu.memory_space<semaphore_mem>>)
        %dma_wait3A_32 = arith.constant 0 : i32
        %dma_wait3A_33 = tpu.memref_slice %arg8[%add3A_11, %dma_wait3A_32] : memref<323584x16xf32, #tpu.memory_space<hbm>> -> memref<128x16xf32, #tpu.memory_space<hbm>>
        %dma_wait3A_34 = arith.constant 0 : i32
        %dma_wait3A_35 = tpu.memref_slice %arg8[%add3A_11, %dma_wait3A_34] : memref<323584x16xf32, #tpu.memory_space<hbm>> -> memref<128x16xf32, #tpu.memory_space<hbm>>
        tpu.wait_dma2 semaphore(%run_scoped3A : memref<!tpu.dma_semaphore, #tpu.memory_space<semaphore_mem>>) src(%arg15 : memref<128x16xf32, #tpu.memory_space<vmem>>) dst(%dma_wait3A_35 : memref<128x16xf32, #tpu.memory_space<hbm>>)
        tpu.yield
      }) : () -> ()
    }
    %scan3A_7 = arith.constant 79 : i32
    return
  }
}

module attributes {stable_mosaic.version = 14 : i64} {
  func.func @_k1_body(%arg0: i32, %arg1: memref<512x128xf32, #tpu.memory_space<vmem>>, %arg2: memref<128x128xf32, #tpu.memory_space<vmem>>, %arg3: memref<512x1xf32, #tpu.memory_space<vmem>>, %arg4: memref<512x1xf32, #tpu.memory_space<vmem>>, %arg5: memref<512x1xf32, #tpu.memory_space<vmem>>, %arg6: memref<512x128xf32, #tpu.memory_space<vmem>>) attributes {dimension_semantics = [#tpu.dimension_semantics<arbitrary>], iteration_bounds = array<i64: 20>, scalar_prefetch = 0 : i64, scratch_operands = 0 : i64, tpu.core_type = #tpu.core_type<tc>, window_params = [{transform_indices = @transform_0, window_bounds = array<i64: 512, 128>}, {pipeline_mode = #tpu.pipeline_mode<synchronous>, transform_indices = @transform_1, window_bounds = array<i64: 128, 128>}, {transform_indices = @transform_2, window_bounds = array<i64: 512, 1>}, {transform_indices = @transform_3, window_bounds = array<i64: 512, 1>}, {transform_indices = @transform_4, window_bounds = array<i64: 512, 1>}, {transform_indices = @transform_5, window_bounds = array<i64: 512, 128>}]} {
    %get3A = arith.constant 0 : index
    %get3A_0 = arith.constant 0 : index
    %get3A_1 = vector.load %arg3[%get3A, %get3A_0] : memref<512x1xf32, #tpu.memory_space<vmem>>, vector<512x1xf32>
    %get3A_2 = vector.shape_cast %get3A_1 : vector<512x1xf32> to vector<512xf32>
    %get3A_3 = arith.constant 0 : index
    %get3A_4 = arith.constant 0 : index
    %get3A_5 = vector.load %arg4[%get3A_3, %get3A_4] : memref<512x1xf32, #tpu.memory_space<vmem>>, vector<512x1xf32>
    %get3A_6 = vector.shape_cast %get3A_5 : vector<512x1xf32> to vector<512xf32>
    %add3A = arith.addf %get3A_2, %get3A_6 : vector<512xf32>
    %add3A_7 = arith.constant 1.000000e+00 : f32
    %add3A_8 = vector.broadcast %add3A_7 : f32 to vector<512xf32>
    %add3A_9 = arith.addf %add3A, %add3A_8 : vector<512xf32>
    %rsqrt3A = math.rsqrt %add3A_9 : vector<512xf32>
    %broadcast_in_dim3A = vector.shape_cast %rsqrt3A : vector<512xf32> to vector<512x1xf32>
    %swap3A = arith.constant 0 : index
    %swap3A_10 = arith.constant 0 : index
    %swap3A_11 = vector.load %arg5[%swap3A, %swap3A_10] : memref<512x1xf32, #tpu.memory_space<vmem>>, vector<512x1xf32>
    tpu.vector_store %arg5[%swap3A, %swap3A_10], %broadcast_in_dim3A {strides = array<i32>} : memref<512x1xf32, #tpu.memory_space<vmem>>, vector<512x1xf32>,
    %get3A_12 = arith.constant 0 : index
    %get3A_13 = arith.constant 0 : index
    %get3A_14 = vector.load %arg1[%get3A_12, %get3A_13] : memref<512x128xf32, #tpu.memory_space<vmem>>, vector<512x128xf32>
    %get3A_15 = arith.constant 0 : index
    %get3A_16 = arith.constant 0 : index
    %get3A_17 = vector.load %arg2[%get3A_15, %get3A_16] : memref<128x128xf32, #tpu.memory_space<vmem>>, vector<128x128xf32>
    %dot_general3A = arith.constant dense<0.000000e+00> : vector<512x128xf32>
    %dot_general3A_18 = tpu.matmul %get3A_14, %get3A_17, %dot_general3A {dimension_numbers = #tpu.dot_dimension_numbers<[1], [0], [0], [1], [0, 0, 1, 1], [], []>, transpose_lhs_hint = false} : vector<512x128xf32>, vector<128x128xf32>, vector<512x128xf32> -> vector<512x128xf32>
    %broadcast_in_dim3A_19 = vector.shape_cast %rsqrt3A : vector<512xf32> to vector<512x1xf32>
    %mul3A = vector.broadcast %broadcast_in_dim3A_19 : vector<512x1xf32> to vector<512x128xf32>
    %mul3A_20 = arith.mulf %dot_general3A_18, %mul3A : vector<512x128xf32>
    %swap3A_21 = arith.constant 0 : index
    %swap3A_22 = arith.constant 0 : index
    %swap3A_23 = vector.load %arg6[%swap3A_21, %swap3A_22] : memref<512x128xf32, #tpu.memory_space<vmem>>, vector<512x128xf32>
    tpu.vector_store %arg6[%swap3A_21, %swap3A_22], %mul3A_20 {strides = array<i32>} : memref<512x128xf32, #tpu.memory_space<vmem>>, vector<512x128xf32>,
    return
  }
  func.func @transform_0(%arg0: i32) -> (i32, i32) {
    %c0_i32 = arith.constant 0 : i32
    %c0_i32_0 = arith.constant 0 : i32
    return %arg0, %c0_i32 : i32, i32
  }
  func.func @transform_1(%arg0: i32) -> (i32, i32) {
    %c0_i32 = arith.constant 0 : i32
    %c0_i32_0 = arith.constant 0 : i32
    %c0_i32_1 = arith.constant 0 : i32
    return %c0_i32, %c0_i32_0 : i32, i32
  }
  func.func @transform_2(%arg0: i32) -> (i32, i32) {
    %c0_i32 = arith.constant 0 : i32
    %c0_i32_0 = arith.constant 0 : i32
    return %arg0, %c0_i32 : i32, i32
  }
  func.func @transform_3(%arg0: i32) -> (i32, i32) {
    %add3A = arith.constant 20 : i32
    %add3A_0 = arith.addi %arg0, %add3A : i32
    %c0_i32 = arith.constant 0 : i32
    %c0_i32_1 = arith.constant 0 : i32
    return %add3A_0, %c0_i32 : i32, i32
  }
  func.func @transform_4(%arg0: i32) -> (i32, i32) {
    %c0_i32 = arith.constant 0 : i32
    %c0_i32_0 = arith.constant 0 : i32
    return %arg0, %c0_i32 : i32, i32
  }
  func.func @transform_5(%arg0: i32) -> (i32, i32) {
    %c0_i32 = arith.constant 0 : i32
    %c0_i32_0 = arith.constant 0 : i32
    return %arg0, %c0_i32 : i32, i32
  }
}

module attributes {stable_mosaic.version = 14 : i64} {
  func.func @_k2_body(%arg0: i32, %arg1: memref<512x128xf32, #tpu.memory_space<vmem>>, %arg2: memref<512x128xf32, #tpu.memory_space<vmem>>, %arg3: memref<512x128xf32, #tpu.memory_space<vmem>>, %arg4: memref<512x1xf32, #tpu.memory_space<vmem>>, %arg5: memref<1x128xf32, #tpu.memory_space<vmem>>, %arg6: memref<128x128xf32, #tpu.memory_space<vmem>>, %arg7: memref<512x128xf32, #tpu.memory_space<vmem>>) attributes {dimension_semantics = [#tpu.dimension_semantics<arbitrary>], iteration_bounds = array<i64: 20>, scalar_prefetch = 0 : i64, scratch_operands = 0 : i64, tpu.core_type = #tpu.core_type<tc>, window_params = [{transform_indices = @transform_0, window_bounds = array<i64: 512, 128>}, {transform_indices = @transform_1, window_bounds = array<i64: 512, 128>}, {transform_indices = @transform_2, window_bounds = array<i64: 512, 128>}, {transform_indices = @transform_3, window_bounds = array<i64: 512, 1>}, {pipeline_mode = #tpu.pipeline_mode<synchronous>, transform_indices = @transform_4, window_bounds = array<i64: 1, 128>}, {pipeline_mode = #tpu.pipeline_mode<synchronous>, transform_indices = @transform_5, window_bounds = array<i64: 128, 128>}, {transform_indices = @transform_6, window_bounds = array<i64: 512, 128>}]} {
    %get3A = arith.constant 0 : index
    %get3A_0 = arith.constant 0 : index
    %get3A_1 = vector.load %arg4[%get3A, %get3A_0] : memref<512x1xf32, #tpu.memory_space<vmem>>, vector<512x1xf32>
    %get3A_2 = arith.constant 0 : index
    %get3A_3 = arith.constant 0 : index
    %get3A_4 = vector.load %arg1[%get3A_2, %get3A_3] : memref<512x128xf32, #tpu.memory_space<vmem>>, vector<512x128xf32>
    %get3A_5 = arith.constant 0 : index
    %get3A_6 = arith.constant 0 : index
    %get3A_7 = vector.load %arg2[%get3A_5, %get3A_6] : memref<512x128xf32, #tpu.memory_space<vmem>>, vector<512x128xf32>
    %add3A = arith.addf %get3A_4, %get3A_7 : vector<512x128xf32>
    %get3A_8 = arith.constant 0 : index
    %get3A_9 = arith.constant 0 : index
    %get3A_10 = vector.load %arg3[%get3A_8, %get3A_9] : memref<512x128xf32, #tpu.memory_space<vmem>>, vector<512x128xf32>
    %sub3A = arith.subf %add3A, %get3A_10 : vector<512x128xf32>
    %mul3A = vector.broadcast %get3A_1 : vector<512x1xf32> to vector<512x128xf32>
    %mul3A_11 = arith.mulf %sub3A, %mul3A : vector<512x128xf32>
    %get3A_12 = arith.constant 0 : index
    %get3A_13 = arith.constant 0 : index
    %get3A_14 = vector.load %arg5[%get3A_12, %get3A_13] : memref<1x128xf32, #tpu.memory_space<vmem>>, vector<1x128xf32>
    %add3A_15 = vector.broadcast %get3A_14 : vector<1x128xf32> to vector<512x128xf32>
    %add3A_16 = arith.addf %mul3A_11, %add3A_15 : vector<512x128xf32>
    %max3A = arith.constant 0.000000e+00 : f32
    %max3A_17 = vector.broadcast %max3A : f32 to vector<512x128xf32>
    %max3A_18 = arith.maximumf %add3A_16, %max3A_17 : vector<512x128xf32>
    %get3A_19 = arith.constant 0 : index
    %get3A_20 = arith.constant 0 : index
    %get3A_21 = vector.load %arg6[%get3A_19, %get3A_20] : memref<128x128xf32, #tpu.memory_space<vmem>>, vector<128x128xf32>
    %dot_general3A = arith.constant dense<0.000000e+00> : vector<512x128xf32>
    %dot_general3A_22 = tpu.matmul %max3A_18, %get3A_21, %dot_general3A {dimension_numbers = #tpu.dot_dimension_numbers<[1], [0], [0], [1], [0, 0, 1, 1], [], []>, transpose_lhs_hint = false} : vector<512x128xf32>, vector<128x128xf32>, vector<512x128xf32> -> vector<512x128xf32>
    %mul3A_23 = vector.broadcast %get3A_1 : vector<512x1xf32> to vector<512x128xf32>
    %mul3A_24 = arith.mulf %dot_general3A_22, %mul3A_23 : vector<512x128xf32>
    %swap3A = arith.constant 0 : index
    %swap3A_25 = arith.constant 0 : index
    %swap3A_26 = vector.load %arg7[%swap3A, %swap3A_25] : memref<512x128xf32, #tpu.memory_space<vmem>>, vector<512x128xf32>
    tpu.vector_store %arg7[%swap3A, %swap3A_25], %mul3A_24 {strides = array<i32>} : memref<512x128xf32, #tpu.memory_space<vmem>>, vector<512x128xf32>,
    return
  }
  func.func @transform_0(%arg0: i32) -> (i32, i32) {
    %c0_i32 = arith.constant 0 : i32
    %c0_i32_0 = arith.constant 0 : i32
    return %arg0, %c0_i32 : i32, i32
  }
  func.func @transform_1(%arg0: i32) -> (i32, i32) {
    %add3A = arith.constant 20 : i32
    %add3A_0 = arith.addi %arg0, %add3A : i32
    %c0_i32 = arith.constant 0 : i32
    %c0_i32_1 = arith.constant 0 : i32
    return %add3A_0, %c0_i32 : i32, i32
  }
  func.func @transform_2(%arg0: i32) -> (i32, i32) {
    %c0_i32 = arith.constant 0 : i32
    %c0_i32_0 = arith.constant 0 : i32
    return %arg0, %c0_i32 : i32, i32
  }
  func.func @transform_3(%arg0: i32) -> (i32, i32) {
    %c0_i32 = arith.constant 0 : i32
    %c0_i32_0 = arith.constant 0 : i32
    return %arg0, %c0_i32 : i32, i32
  }
  func.func @transform_4(%arg0: i32) -> (i32, i32) {
    %c0_i32 = arith.constant 0 : i32
    %c0_i32_0 = arith.constant 0 : i32
    %c0_i32_1 = arith.constant 0 : i32
    return %c0_i32, %c0_i32_0 : i32, i32
  }
  func.func @transform_5(%arg0: i32) -> (i32, i32) {
    %c0_i32 = arith.constant 0 : i32
    %c0_i32_0 = arith.constant 0 : i32
    %c0_i32_1 = arith.constant 0 : i32
    return %c0_i32, %c0_i32_0 : i32, i32
  }
  func.func @transform_6(%arg0: i32) -> (i32, i32) {
    %c0_i32 = arith.constant 0 : i32
    %c0_i32_0 = arith.constant 0 : i32
    return %arg0, %c0_i32 : i32, i32
  }
}

module attributes {stable_mosaic.version = 14 : i64} {
  func.func @_k4_body(%arg0: i32, %arg1: memref<2048x16xf32, #tpu.memory_space<vmem>>, %arg2: memref<16x128xf32, #tpu.memory_space<vmem>>, %arg3: memref<1x128xf32, #tpu.memory_space<vmem>>, %arg4: memref<2048x128xf32, #tpu.memory_space<vmem>>) attributes {dimension_semantics = [#tpu.dimension_semantics<arbitrary>], iteration_bounds = array<i64: 158>, scalar_prefetch = 0 : i64, scratch_operands = 0 : i64, tpu.core_type = #tpu.core_type<tc>, window_params = [{transform_indices = @transform_0, window_bounds = array<i64: 2048, 16>}, {pipeline_mode = #tpu.pipeline_mode<synchronous>, transform_indices = @transform_1, window_bounds = array<i64: 16, 128>}, {pipeline_mode = #tpu.pipeline_mode<synchronous>, transform_indices = @transform_2, window_bounds = array<i64: 1, 128>}, {transform_indices = @transform_3, window_bounds = array<i64: 2048, 128>}]} {
    %get3A = arith.constant 0 : index
    %get3A_0 = arith.constant 0 : index
    %get3A_1 = vector.load %arg1[%get3A, %get3A_0] : memref<2048x16xf32, #tpu.memory_space<vmem>>, vector<2048x16xf32>
    %get3A_2 = arith.constant 0 : index
    %get3A_3 = arith.constant 0 : index
    %get3A_4 = vector.load %arg2[%get3A_2, %get3A_3] : memref<16x128xf32, #tpu.memory_space<vmem>>, vector<16x128xf32>
    %dot_general3A = arith.constant dense<0.000000e+00> : vector<2048x128xf32>
    %dot_general3A_5 = tpu.matmul %get3A_1, %get3A_4, %dot_general3A {dimension_numbers = #tpu.dot_dimension_numbers<[1], [0], [0], [1], [0, 0, 1, 1], [], []>, transpose_lhs_hint = false} : vector<2048x16xf32>, vector<16x128xf32>, vector<2048x128xf32> -> vector<2048x128xf32>
    %get3A_6 = arith.constant 0 : index
    %get3A_7 = arith.constant 0 : index
    %get3A_8 = vector.load %arg3[%get3A_6, %get3A_7] : memref<1x128xf32, #tpu.memory_space<vmem>>, vector<1x128xf32>
    %add3A = vector.broadcast %get3A_8 : vector<1x128xf32> to vector<2048x128xf32>
    %add3A_9 = arith.addf %dot_general3A_5, %add3A : vector<2048x128xf32>
    %swap3A = arith.constant 0 : index
    %swap3A_10 = arith.constant 0 : index
    %swap3A_11 = vector.load %arg4[%swap3A, %swap3A_10] : memref<2048x128xf32, #tpu.memory_space<vmem>>, vector<2048x128xf32>
    tpu.vector_store %arg4[%swap3A, %swap3A_10], %add3A_9 {strides = array<i32>} : memref<2048x128xf32, #tpu.memory_space<vmem>>, vector<2048x128xf32>,
    return
  }
  func.func @transform_0(%arg0: i32) -> (i32, i32) {
    %c0_i32 = arith.constant 0 : i32
    %c0_i32_0 = arith.constant 0 : i32
    return %arg0, %c0_i32 : i32, i32
  }
  func.func @transform_1(%arg0: i32) -> (i32, i32) {
    %c0_i32 = arith.constant 0 : i32
    %c0_i32_0 = arith.constant 0 : i32
    %c0_i32_1 = arith.constant 0 : i32
    return %c0_i32, %c0_i32_0 : i32, i32
  }
  func.func @transform_2(%arg0: i32) -> (i32, i32) {
    %c0_i32 = arith.constant 0 : i32
    %c0_i32_0 = arith.constant 0 : i32
    %c0_i32_1 = arith.constant 0 : i32
    return %c0_i32, %c0_i32_0 : i32, i32
  }
  func.func @transform_3(%arg0: i32) -> (i32, i32) {
    %c0_i32 = arith.constant 0 : i32
    %c0_i32_0 = arith.constant 0 : i32
    return %arg0, %c0_i32 : i32, i32
  }
}

module attributes {stable_mosaic.version = 14 : i64} {
  func.func @_k3_body(%arg0: i32, %arg1: memref<512x128xf32, #tpu.memory_space<vmem>>, %arg2: memref<512x128xf32, #tpu.memory_space<vmem>>, %arg3: memref<512x128xf32, #tpu.memory_space<vmem>>, %arg4: memref<512x1xf32, #tpu.memory_space<vmem>>, %arg5: memref<1x128xf32, #tpu.memory_space<vmem>>, %arg6: memref<128x128xf32, #tpu.memory_space<vmem>>, %arg7: memref<128x128xf32, #tpu.memory_space<vmem>>, %arg8: memref<512x128xf32, #tpu.memory_space<vmem>>, %arg9: memref<512x128xf32, #tpu.memory_space<vmem>>) attributes {dimension_semantics = [#tpu.dimension_semantics<arbitrary>], iteration_bounds = array<i64: 20>, scalar_prefetch = 0 : i64, scratch_operands = 0 : i64, tpu.core_type = #tpu.core_type<tc>, window_params = [{transform_indices = @transform_0, window_bounds = array<i64: 512, 128>}, {transform_indices = @transform_1, window_bounds = array<i64: 512, 128>}, {transform_indices = @transform_2, window_bounds = array<i64: 512, 128>}, {transform_indices = @transform_3, window_bounds = array<i64: 512, 1>}, {pipeline_mode = #tpu.pipeline_mode<synchronous>, transform_indices = @transform_4, window_bounds = array<i64: 1, 128>}, {pipeline_mode = #tpu.pipeline_mode<synchronous>, transform_indices = @transform_5, window_bounds = array<i64: 128, 128>}, {pipeline_mode = #tpu.pipeline_mode<synchronous>, transform_indices = @transform_6, window_bounds = array<i64: 128, 128>}, {transform_indices = @transform_7, window_bounds = array<i64: 512, 128>}, {transform_indices = @transform_8, window_bounds = array<i64: 512, 128>}]} {
    %get3A = arith.constant 0 : index
    %get3A_0 = arith.constant 0 : index
    %get3A_1 = vector.load %arg1[%get3A, %get3A_0] : memref<512x128xf32, #tpu.memory_space<vmem>>, vector<512x128xf32>
    %get3A_2 = arith.constant 0 : index
    %get3A_3 = arith.constant 0 : index
    %get3A_4 = vector.load %arg2[%get3A_2, %get3A_3] : memref<512x128xf32, #tpu.memory_space<vmem>>, vector<512x128xf32>
    %add3A = arith.addf %get3A_1, %get3A_4 : vector<512x128xf32>
    %get3A_5 = arith.constant 0 : index
    %get3A_6 = arith.constant 0 : index
    %get3A_7 = vector.load %arg3[%get3A_5, %get3A_6] : memref<512x128xf32, #tpu.memory_space<vmem>>, vector<512x128xf32>
    %sub3A = arith.subf %add3A, %get3A_7 : vector<512x128xf32>
    %get3A_8 = arith.constant 0 : index
    %get3A_9 = arith.constant 0 : index
    %get3A_10 = vector.load %arg4[%get3A_8, %get3A_9] : memref<512x1xf32, #tpu.memory_space<vmem>>, vector<512x1xf32>
    %mul3A = vector.broadcast %get3A_10 : vector<512x1xf32> to vector<512x128xf32>
    %mul3A_11 = arith.mulf %sub3A, %mul3A : vector<512x128xf32>
    %get3A_12 = arith.constant 0 : index
    %get3A_13 = arith.constant 0 : index
    %get3A_14 = vector.load %arg5[%get3A_12, %get3A_13] : memref<1x128xf32, #tpu.memory_space<vmem>>, vector<1x128xf32>
    %add3A_15 = vector.broadcast %get3A_14 : vector<1x128xf32> to vector<512x128xf32>
    %add3A_16 = arith.addf %mul3A_11, %add3A_15 : vector<512x128xf32>
    %max3A = arith.constant 0.000000e+00 : f32
    %max3A_17 = vector.broadcast %max3A : f32 to vector<512x128xf32>
    %max3A_18 = arith.maximumf %add3A_16, %max3A_17 : vector<512x128xf32>
    %get3A_19 = arith.constant 0 : index
    %get3A_20 = arith.constant 0 : index
    %get3A_21 = vector.load %arg6[%get3A_19, %get3A_20] : memref<128x128xf32, #tpu.memory_space<vmem>>, vector<128x128xf32>
    %dot_general3A = arith.constant dense<0.000000e+00> : vector<512x128xf32>
    %dot_general3A_22 = tpu.matmul %max3A_18, %get3A_21, %dot_general3A {dimension_numbers = #tpu.dot_dimension_numbers<[1], [0], [0], [1], [0, 0, 1, 1], [], []>, transpose_lhs_hint = false} : vector<512x128xf32>, vector<128x128xf32>, vector<512x128xf32> -> vector<512x128xf32>
    %swap3A = arith.constant 0 : index
    %swap3A_23 = arith.constant 0 : index
    %swap3A_24 = vector.load %arg8[%swap3A, %swap3A_23] : memref<512x128xf32, #tpu.memory_space<vmem>>, vector<512x128xf32>
    tpu.vector_store %arg8[%swap3A, %swap3A_23], %dot_general3A_22 {strides = array<i32>} : memref<512x128xf32, #tpu.memory_space<vmem>>, vector<512x128xf32>,
    %get3A_25 = arith.constant 0 : index
    %get3A_26 = arith.constant 0 : index
    %get3A_27 = vector.load %arg7[%get3A_25, %get3A_26] : memref<128x128xf32, #tpu.memory_space<vmem>>, vector<128x128xf32>
    %dot_general3A_28 = arith.constant dense<0.000000e+00> : vector<512x128xf32>
    %dot_general3A_29 = tpu.matmul %max3A_18, %get3A_27, %dot_general3A_28 {dimension_numbers = #tpu.dot_dimension_numbers<[1], [0], [0], [1], [0, 0, 1, 1], [], []>, transpose_lhs_hint = false} : vector<512x128xf32>, vector<128x128xf32>, vector<512x128xf32> -> vector<512x128xf32>
    %swap3A_30 = arith.constant 0 : index
    %swap3A_31 = arith.constant 0 : index
    %swap3A_32 = vector.load %arg9[%swap3A_30, %swap3A_31] : memref<512x128xf32, #tpu.memory_space<vmem>>, vector<512x128xf32>
    tpu.vector_store %arg9[%swap3A_30, %swap3A_31], %dot_general3A_29 {strides = array<i32>} : memref<512x128xf32, #tpu.memory_space<vmem>>, vector<512x128xf32>,
    return
  }
  func.func @transform_0(%arg0: i32) -> (i32, i32) {
    %c0_i32 = arith.constant 0 : i32
    %c0_i32_0 = arith.constant 0 : i32
    return %arg0, %c0_i32 : i32, i32
  }
  func.func @transform_1(%arg0: i32) -> (i32, i32) {
    %add3A = arith.constant 20 : i32
    %add3A_0 = arith.addi %arg0, %add3A : i32
    %c0_i32 = arith.constant 0 : i32
    %c0_i32_1 = arith.constant 0 : i32
    return %add3A_0, %c0_i32 : i32, i32
  }
  func.func @transform_2(%arg0: i32) -> (i32, i32) {
    %c0_i32 = arith.constant 0 : i32
    %c0_i32_0 = arith.constant 0 : i32
    return %arg0, %c0_i32 : i32, i32
  }
  func.func @transform_3(%arg0: i32) -> (i32, i32) {
    %c0_i32 = arith.constant 0 : i32
    %c0_i32_0 = arith.constant 0 : i32
    return %arg0, %c0_i32 : i32, i32
  }
  func.func @transform_4(%arg0: i32) -> (i32, i32) {
    %c0_i32 = arith.constant 0 : i32
    %c0_i32_0 = arith.constant 0 : i32
    %c0_i32_1 = arith.constant 0 : i32
    return %c0_i32, %c0_i32_0 : i32, i32
  }
  func.func @transform_5(%arg0: i32) -> (i32, i32) {
    %c0_i32 = arith.constant 0 : i32
    %c0_i32_0 = arith.constant 0 : i32
    %c0_i32_1 = arith.constant 0 : i32
    return %c0_i32, %c0_i32_0 : i32, i32
  }
  func.func @transform_6(%arg0: i32) -> (i32, i32) {
    %c0_i32 = arith.constant 0 : i32
    %c0_i32_0 = arith.constant 0 : i32
    %c0_i32_1 = arith.constant 0 : i32
    return %c0_i32, %c0_i32_0 : i32, i32
  }
  func.func @transform_7(%arg0: i32) -> (i32, i32) {
    %c0_i32 = arith.constant 0 : i32
    %c0_i32_0 = arith.constant 0 : i32
    return %arg0, %c0_i32 : i32, i32
  }
  func.func @transform_8(%arg0: i32) -> (i32, i32) {
    %c0_i32 = arith.constant 0 : i32
    %c0_i32_0 = arith.constant 0 : i32
    return %arg0, %c0_i32 : i32, i32
  }
}

module attributes {stable_mosaic.version = 14 : i64} {
  func.func @_k5_body(%arg0: i32, %arg1: memref<2048x16xf32, #tpu.memory_space<vmem>>, %arg2: memref<1x1xf32, #tpu.memory_space<vmem>>, %arg3: memref<2048x1xf32, #tpu.memory_space<vmem>>) attributes {dimension_semantics = [#tpu.dimension_semantics<arbitrary>], iteration_bounds = array<i64: 158>, scalar_prefetch = 0 : i64, scratch_operands = 0 : i64, tpu.core_type = #tpu.core_type<tc>, window_params = [{transform_indices = @transform_0, window_bounds = array<i64: 2048, 16>}, {pipeline_mode = #tpu.pipeline_mode<synchronous>, transform_indices = @transform_1, window_bounds = array<i64: 1, 1>}, {transform_indices = @transform_2, window_bounds = array<i64: 2048, 1>}]} {
    %get3A = arith.constant 0 : index
    %get3A_0 = arith.constant 0 : index
    %get3A_1 = vector.load %arg1[%get3A, %get3A_0] : memref<2048x16xf32, #tpu.memory_space<vmem>>, vector<2048x16xf32>
    %reduce_sum3A = arith.constant dense<0.000000e+00> : vector<2048xf32>
    %reduce_sum3A_2 = vector.multi_reduction <add>, %get3A_1, %reduce_sum3A [1] : vector<2048x16xf32> to vector<2048xf32>
    %broadcast_in_dim3A = vector.shape_cast %reduce_sum3A_2 : vector<2048xf32> to vector<2048x1xf32>
    %get3A_3 = arith.constant 0 : index
    %get3A_4 = arith.constant 0 : index
    %get3A_5 = vector.load %arg2[%get3A_3, %get3A_4] : memref<1x1xf32, #tpu.memory_space<vmem>>, vector<1x1xf32>
    %add3A = vector.broadcast %get3A_5 : vector<1x1xf32> to vector<2048x1xf32>
    %add3A_6 = arith.addf %broadcast_in_dim3A, %add3A : vector<2048x1xf32>
    %swap3A = arith.constant 0 : index
    %swap3A_7 = arith.constant 0 : index
    %swap3A_8 = vector.load %arg3[%swap3A, %swap3A_7] : memref<2048x1xf32, #tpu.memory_space<vmem>>, vector<2048x1xf32>
    tpu.vector_store %arg3[%swap3A, %swap3A_7], %add3A_6 {strides = array<i32>} : memref<2048x1xf32, #tpu.memory_space<vmem>>, vector<2048x1xf32>,
    return
  }
  func.func @transform_0(%arg0: i32) -> (i32, i32) {
    %c0_i32 = arith.constant 0 : i32
    %c0_i32_0 = arith.constant 0 : i32
    return %arg0, %c0_i32 : i32, i32
  }
  func.func @transform_1(%arg0: i32) -> (i32, i32) {
    %c0_i32 = arith.constant 0 : i32
    %c0_i32_0 = arith.constant 0 : i32
    %c0_i32_1 = arith.constant 0 : i32
    return %c0_i32, %c0_i32_0 : i32, i32
  }
  func.func @transform_2(%arg0: i32) -> (i32, i32) {
    %c0_i32 = arith.constant 0 : i32
    %c0_i32_0 = arith.constant 0 : i32
    return %arg0, %c0_i32 : i32, i32
  }
}

</mosaic_0001>

<sc_bundles>
// kernel: kernel.13.cloned.1.call-start
scs
__scs_entry_jumppad:
0x0: {  	(pc) =	sbr.rel $0x88, $3  }
0x1: {  	(tag) =	ssettag $0x0;
	lr =	simm.s32 $0x1  }
0x2: {  	[smem:$0x3F94] =	sst lr;
	_ =	strace $0xD0000000  }
0x3: {  	_ = 	snop  }
0x4: {  	_ = 	snop  }
0x5: {  	_ = 	snop  }
0x6: {  	_ = 	snop  }
0x7: {  	_ = 	snop  }
__scs_overlays_trampoline_lowered:
0x8: {  	[smem:$0x3FA3] =	sst s0  }
0x9: {  	[smem:$0x3FA4] =	sst s1  }
0xa: {  	[smem:$0x3FA5] =	sst s2  }
0xb: {  	[smem:$0x3FA6] =	sst s3  }
0xc: {  	[smem:$0x3FA7] =	sst s4  }
0xd: {  	[smem:$0x3FA8] =	sst s5  }
0xe: {  	[smem:$0x3FA9] =	sst s6  }
0xf: {  	[smem:$0x3FAA] =	sst s7  }
0x10: {  	[smem:$0x3FAB] =	sst s8  }
0x11: {  	[smem:$0x3FAC] =	sst s9;
	s0 =	simm.s32 @!p0 $0x0  }
0x12: {  	s1 =	sld [smem:$0x3F92];
	s0 =	simm.s32 @p0 $0x1  }
0x13: {  	[smem:$0x3FAD] =	sst s0;
	s0 =	simm.s32 @!p1 $0x0  }
0x14: {  	s2 =	sld [smem:$0x3F91];
	s0 =	simm.s32 @p1 $0x1  }
0x15: {  	[smem:$0x3FAE] =	sst s0;
	s0 =	simm.s32 @!p2 $0x0  }
0x16: {  	s3 =	sld [smem:$0x3FDB];
	s0 =	simm.s32 @p2 $0x1  }
0x17: {  	s4 =	simm.s32 $0x1BF5;
	[smem:$0x3FB0] =	sst s0  }
0x18: {  	s0 =	sld [smem:$0x3F93];
	_ =	swait.ge [sflag:s4], $0x0  }
0x19: {  	s7 =	sld [smem:$0x3F94]  }
0x1a: {  	s8 =	sadd.s32 $0xFFFFE003, lr  }
0x1b: {  	s9 =	sadd.s32 $0xFFFFFEF7, lr;
	s5 =	simm.s32 $0xFFFFFFFF;
	p2 =	slt.u32 s8, $0xFFFFF086  }
0x1c: {  	p1 =	slt.u32 s9, $0xF7A;
	s5 =	simm.s32 @!p2 $0x0  }
0x1d: {  	s5 =	simm.s32 @p1 $0x1;
	p0 =	seq.s32 s7, s2  }
0x1e: {  	s7 =	smul.u32 @!p0 $0xF7A, s2;
	p2 =	seq.s32 @!p0 s5, $0x0  }
0x1f: {  	s9 =	smul.u32 $0xF7A, s1;
	s8 =	simm.s32 @!p0 $0x1BF5;
	p2 =	por !p2, p0  }
0x20: {  	[sflag:s8] =	ssyncset.s32 @!p0 $0xFFFFF086;
	s6 =	sadd.s32 @!p0 s3, s7;
	s7 =	simm.s32 @!p0 $0x108  }
0x21: {  	s3 =	sadd.s32 s3, s9;
	s6 =	sadd.s32 @!p0 $0x88, s6;
	s7 =	simm.s32 @p2 $0x1082  }
0x22: {  	[simem:s7], [sflag:s8] =	dma.local @!p0 [hbm:s6], $0xF7A  }
0x23: {  	s9 =	sor.u32 $0xD0000000, s2;
	s6 =	simm.s32 $0x108;
	_ =	swait.ge @!p0 [sflag:s8], $0x0  }
0x24: {  	s3 =	sadd.s32 $0x88, s3;
	s6 =	simm.s32 @!p1 $0x1082;
	[sflag:s4] =	ssyncset.s32 $0xFFFFF086  }
0x25: {  	[simem:s6], [sflag:s4] =	dma.local [hbm:s3], $0xF7A  }
0x26: {  	[smem:$0x3F94] =	sst s1;
	(tag) =	ssettag s2;
	_ =	strace s9  }
0x27: {  	s1 =	sld [smem:$0x3FA4]  }
0x28: {  	s2 =	sld [smem:$0x3FA5]  }
0x29: {  	s4 =	sld [smem:$0x3FA7]  }
0x2a: {  	p0 =	seq.s32 s5, $0x0;
	s5 =	sld [smem:$0x3FA8]  }
0x2b: {  	s6 =	sld [smem:$0x3FA9]  }
0x2c: {  	s7 =	sld [smem:$0x3FAA]  }
0x2d: {  	s3 =	simm.s32 $0x108;
	s8 =	sld [smem:$0x3FAB]  }
0x2e: {  	s3 =	simm.s32 @!p0 $0x1082;
	s9 =	sld [smem:$0x3FAC]  }
0x2f: {  	lr =	sadd.s32 s0, s3;
	s0 =	sld [smem:$0x3FA3]  }
0x30: {  	s3 =	sld [smem:$0x3FA6]  }
0x31: {  	[smem:$0x3FAF] =	sst s10  }
0x32: {  	s10 =	sld [smem:$0x3FAD];
	_ =	sdelay $0x3  }
0x33: {  	p0 =	seq.s32 s10, $0x1;
	s10 =	sld [smem:$0x3FAF];
	_ =	sdelay $0x3  }
0x34: {  	[smem:$0x3FAF] =	sst s10  }
0x35: {  	s10 =	sld [smem:$0x3FAE];
	_ =	sdelay $0x3  }
0x36: {  	p1 =	seq.s32 s10, $0x1;
	s10 =	sld [smem:$0x3FAF];
	_ =	sdelay $0x3  }
0x37: {  	[smem:$0x3FAF] =	sst s10  }
0x38: {  	s10 =	sld [smem:$0x3FB0]  }
0x39: {  	_ = 	snop;
	(pc) =	sbr.ind lr, $3  }
0x3a: {  	_ = 	snop  }
0x3b: {  	_ = 	snop  }
0x3c: {  	p2 =	seq.s32 s10, $0x1;
	s10 =	sld [smem:$0x3FAF]  }
0x3d: {  	_ =	shalt  }
0x3e: {  	_ =	shalt  }
0x3f: {  	_ =	shalt  }
0x40: {  	_ =	shalt  }
0x41: {  	_ =	shalt  }
0x42: {  	_ =	shalt  }
0x43: {  	_ =	shalt  }
0x44: {  	_ =	shalt  }
0x45: {  	_ =	shalt  }
0x46: {  	_ =	shalt  }
0x47: {  	_ =	shalt  }
0x48: {  	_ =	shalt  }
0x49: {  	_ =	shalt  }
0x4a: {  	_ =	shalt  }
0x4b: {  	_ =	shalt  }
0x4c: {  	_ =	shalt  }
0x4d: {  	_ =	shalt  }
0x4e: {  	_ =	shalt  }
0x4f: {  	_ =	shalt  }
0x50: {  	_ =	shalt  }
0x51: {  	_ =	shalt  }
0x52: {  	_ =	shalt  }
0x53: {  	_ =	shalt  }
0x54: {  	_ =	shalt  }
0x55: {  	_ =	shalt  }
0x56: {  	_ =	shalt  }
0x57: {  	_ =	shalt  }
0x58: {  	_ =	shalt  }
0x59: {  	_ =	shalt  }
0x5a: {  	_ =	shalt  }
0x5b: {  	_ =	shalt  }
0x5c: {  	_ =	shalt  }
0x5d: {  	_ =	shalt  }
0x5e: {  	_ =	shalt  }
0x5f: {  	_ =	shalt  }
0x60: {  	_ =	shalt  }
0x61: {  	_ =	shalt  }
0x62: {  	_ =	shalt  }
0x63: {  	_ =	shalt  }
0x64: {  	_ =	shalt  }
0x65: {  	_ =	shalt  }
0x66: {  	_ =	shalt  }
0x67: {  	_ =	shalt  }
0x68: {  	_ =	shalt  }
0x69: {  	_ =	shalt  }
0x6a: {  	_ =	shalt  }
0x6b: {  	_ =	shalt  }
0x6c: {  	_ =	shalt  }
0x6d: {  	_ =	shalt  }
0x6e: {  	_ =	shalt  }
0x6f: {  	_ =	shalt  }
0x70: {  	_ =	shalt  }
0x71: {  	_ =	shalt  }
0x72: {  	_ =	shalt  }
0x73: {  	_ =	shalt  }
0x74: {  	_ =	shalt  }
0x75: {  	_ =	shalt  }
0x76: {  	_ =	shalt  }
0x77: {  	_ =	shalt  }
0x78: {  	_ =	shalt  }
0x79: {  	_ =	shalt  }
0x7a: {  	_ =	shalt  }
0x7b: {  	_ =	shalt  }
0x7c: {  	_ =	shalt  }
0x7d: {  	_ =	shalt  }
0x7e: {  	_ =	shalt  }
0x7f: {  	_ =	shalt  }
0x80: {  	_ =	shalt  }
0x81: {  	_ =	shalt  }
0x82: {  	_ =	shalt  }
0x83: {  	_ =	shalt  }
0x84: {  	_ =	shalt  }
0x85: {  	_ =	shalt  }
0x86: {  	_ =	shalt  }
0x87: {  	_ =	shalt  }
.Lfunc_end0:
.L_simem_size_0:
called_computation_lowered:
.L_overlay_start_0:
0x88: {  	s2 =	sld [smem:$0x3FD9]  }
0x89: {  	s3 =	sld [smem:$0x3FFE];
	_ =	sdelay $0x1  }
0x8a: {  	s1 =	srdreg.scid  }
0x8b: {  	s0 =	sand.u32 $0x1, s1  }
0x8c: {  	s17 =	sshll.u32 s0, $0xA;
	s2 =	sadd.s32 s3, s2  }
0x8d: {  	s2 =	sadd.s32 s2, s17  }
0x8e: {  	[smem:$0x3FBB] =	sst s2  }
0x8f: {  	_ = 	snop  }
0x90: {  	s2 =	sld [smem:$0x3FD0];
	(tm) =	ssettm $0x1  }
0x91: {  	s18 =	sld [smem:$0x3FFB];
	_ =	sdelay $0x3  }
0x92: {  	_ =	strace s18  }
0x93: {  	s3 =	sld [smem:$0x3FFC];
	_ =	sdelay $0x3  }
0x94: {  	_ =	strace s3  }
0x95: {  	s3 =	sld [smem:$0x3FFD];
	_ =	sdelay $0x3  }
0x96: {  	_ =	strace s3  }
0x97: {  	_ =	strace $0x8FFFFFFF  }
0x98: {  	s19 =	sld [smem:$0x3FDB];
	_ =	sdelay $0x1  }
0x99: {  	s4 =	simm.s32 $_scs_section_size  }
0x9a: {  	s5 =	simm.s32 $_size__tile_overlayer_lowered;
	s6 =	simm.s32 $_tile_overlayer_lowered  }
0x9b: {  	s22 =	simm.s32 $0x1BFF;
	s21 =	sshll.u32 s6, $0x1;
	s3 =	sadd.s32 s4, s19  }
0x9c: {  	s7 =	simm.s32 $0x0;
	s20 =	sshll.u32 s5, $0x1;
	s5 =	sadd.s32 s21, s3  }
0x9d: {  	[timem:s7], [sflag:s22] =	dma.local [hbm:s5], s20  }
0x9e: {  	_ =	swait.ge [sflag:s22], s20  }
0x9f: {  	s4 =	ssub.s32 $0x0, s20;
	[sflag:s22] =	ssyncset.done $0x0  }
0xa0: {  	[sflag:s22] =	ssyncadd.s32 s4;
	_ =	sdelay $0x1  }
0xa1: {  	s23 =	simm.s32 $0x1B8B  }
0xa2: {  	_ =	swait.ge [sflag:s23], $0x1  }
0xa3: {  	[sflag:s23] =	ssyncset.done $0x0  }
0xa4: {  	s25 =	simm.s32 $0x1B8E;
	s24 =	sld [smem:$0x3FFE];
	[sflag:s23] =	ssyncadd.s32 $0xFFFFFFFF  }
0xa5: {  	s26 =	simm.s32 $execute0_lowered;
	[smem:$0x3FD2] =	sst s25  }
0xa6: {  	s5 =	sshll.u32 s26, $0x1;
	_ =	strace $0x80000046;
	[dreg:$0x1] =	wrdreg $0xFFFFFFFF  }
0xa7: {  	s28 =	simm.s32 $_size_execute0_lowered;
	s3 =	sadd.s32 s3, s5;
	[dreg:$0x0] =	wrdreg $0x0  }
0xa8: {  	s5 =	sshll.u32 s28, $0x1;
	[dreg:$0x2] =	wrdreg s3  }
0xa9: {  	[dreg:$0x3] =	wrdreg s5  }
0xaa: {  	[dreg:$0x4] =	wrdreg $0xC0  }
0xab: {  	_ =	task [dreg:s7], $0x5FFFF  }
0xac: {  	[dreg:$0x1] =	wrdreg $0xFFFFFFFF  }
0xad: {  	[dreg:$0x0] =	wrdreg $0x60  }
0xae: {  	[dreg:$0x2] =	wrdreg s24  }
0xaf: {  	[dreg:$0x3] =	wrdreg s2  }
0xb0: {  	[dreg:$0x4] =	wrdreg $0x1000  }
0xb1: {  	[dreg:$0x5] =	wrdreg $0x9  }
0xb2: {  	_ =	task.clear_ibuf [dreg:s7], $0x6FFFF;
	_ =	strace $0x90000046  }
0xb3: {  	s29 =	simm.s32 $0x9;
	_ =	strace $0x80000048  }
0xb4: {  	_ =	swait.ge [sflag:s29], $0x1  }
0xb5: {  	[sflag:s29] =	ssyncadd.s32 $0xFFFFFFFF  }
0xb6: {  	_ =	strace $0x90000048  }
0xb7: {  	_ =	sfence  }
0xb8: {  	s30 =	sld [smem:$0x0];
	_ =	sdelay $0x2  }
0xb9: {  	s31 =	sshll.u32 s1, $0xD;
	s1 =	sshrl.u32 s1, $0x2  }
0xba: {  	s3 =	sand.u32 $0x4000, s31;
	s1 =	sadd.s32 s1, s30  }
0xbb: {  	s0 =	sor.u32 s3, s0;
	s1 =	sshll.u32 s1, $0x11  }
0xbc: {  	s0 =	sor.u32 s1, s0  }
0xbd: {  	s0 =	sadd.s32 $0x8F2B, s0  }
0xbe: {  	[sflag:s0] =	ssyncadd.remote.s32 $0x1  }
0xbf: {  	_ =	sfence.sel $0xFFFF  }
0xc0: {  	[dreg:$0x0] =	wrdreg $0xFFFFFFFF;
	(pc) =	sbr.abs _section_cstart, $3  }
0xc1: {  	[dreg:$0x1] =	wrdreg $0xFFFFFFFF  }
0xc2: {  	_ =	task.clear_ibuf [dreg:s7], $0x2FFFF;
	_ =	strace $0x9FFFFFFF  }
0xc3: {  	(tm) =	ssettm $0x7FFFFFFF  }
tec
execute0_lowered:
.L_overlay_start_1:
0x0: {  	(tag) =	ssettag $0x1  }
0x1: {  	s4 =	rddreg [dreg:$0x0]  }
0x2: {  	s6 =	rddreg [dreg:$0x1];
	s0 =	srdreg.scid  }
0x3: {  	s2 =	rddreg [dreg:$0x2];
	s1 =	stileid.u32;
	s3 =	simm.s32 $0x0  }
0x4: {  	s5 =	sand.u32 $0x1, s0;
	s0 =	rddreg [dreg:$0x3];
	s8 =	smul.u32 $0x280, s1  }
0x5: {  	[smem:$0x7FF] =	sst s3;
	s12 =	smul.u32 $0x4F0, s1  }
0x6: {  	s31 =	sshll.u32 s1, $0x6;
	s7 =	smul.u32 $0x4F00, s5;
	_ =	strace $0x80000047  }
0x7: {  	s10 =	ssub.s32 $0x2, s5;
	s5 =	smul.u32 $0x2800, s5;
	s9 =	sshrl.u32 s8, $0x3  }
0x8: {  	s11 =	sshrl.u32 s10, $0x1;
	s13 =	sadd.s32 s8, s2;
	s7 =	sadd.s32 s7, s4  }
0x9: {  	s9 =	sadd.s32 s9, s4;
	s4 =	sadd.s32 $0xF000, s4;
	s10 =	ssub.s32 s10, s11  }
0xa: {  	s8 =	sadd.s32 s8, s5;
	s11 =	sor.u32 $0x1C01, s31;
	s5 =	sadd.s32 $0xEA00, s9  }
0xb: {  	s8 =	sshrl.u32 s8, $0x3;
	s30 =	sadd.s32 s12, s7;
	s7 =	smax.u32 s10, $0x1  }
0xc: {  	s9 =	simm.s32 $0x80;
	s10 =	simm.s32 $0x1;
	s12 =	sshrl.u32 s13, $0x3  }
0xd: {  	s13 =	simm.s32 $0x0;
	s6 =	sadd.s32 s6, s8;
	s8 =	sadd.s32 $0x4C00, s30  }
.LBB2_1:
0xe: {  	[tilespmem:s9], [sflag:$0x1] =	stream.linear.gather [hbm4b:s4+s3], $0x80, $0x38;
	[tilespmem:$0x380] =	vst v63  }
0xf: {  	_ =	swait.ge [sflag:s10], $0x80  }
0x10: {  	[sflag:s10] =	ssyncset.done $0x0  }
0x11: {  	[sflag:s10] =	ssyncadd.s32 $0xFFFFFF80  }
0x12: {  	[spmem:s12], [sflag:s11] =	dma.local [hbm:s5], $0x50  }
0x13: {  	_ =	swait.ge [sflag:s10], $0x50  }
0x14: {  	[sflag:s10] =	ssyncset.done $0x0  }
0x15: {  	[sflag:s10] =	ssyncadd.s32 $0xFFFFFFB0  }
0x16: {  	s14 =	sadd.s32 $0x0, s8;
	[bflag:$0x0] =	sbarrier.arrive $0xFFFF  }
0x17: {  	[tilespmem:s3], [sflag:$0x1] =	stream.linear.gather [hbm4b:s14+s3], $0x80, $0x38;
	[tilespmem:$0x380] =	vst v63  }
0x18: {  	_ =	swait.ge [sflag:s10], $0x80  }
0x19: {  	[sflag:s10] =	ssyncset.done $0x0  }
0x1a: {  	[sflag:s10] =	ssyncadd.s32 $0xFFFFFF80  }
0x1b: {  	[spmem:s2] =	stream.indirect.scatter.add.f32 [tilespmem:s9], [sflag:$0x1], $0x1, s3, s9, $0xb8;
	[tilespmem:$0x380] =	vst v63  }
0x1c: {  	_ =	swait.ge [sflag:s10], $0x80  }
0x1d: {  	s15 =	simm.s32 $0x20;
	s14 =	simm.s32 $0x10;
	[sflag:s10] =	ssyncset.done $0x0  }
.LBB2_2:
0x1e: {  	s16 =	sadd.s32 s14, s8  }
0x1f: {  	[sflag:s10] =	ssyncadd.s32 $0xFFFFFF80;
	s14 =	smov.u32 s15;
	s17 =	sadd.s32 $0x10, s15  }
0x20: {  	[tilespmem:s3], [sflag:$0x1] =	stream.linear.gather [hbm4b:s16+s3], $0x80, $0x38;
	[tilespmem:$0x380] =	vst v63  }
0x21: {  	p0 =	sne.s32 s15, $0x4E0;
	_ =	swait.ge [sflag:s10], $0x80  }
.Ltmp0:
0x22: {  	[sflag:s10] =	ssyncset.done $0x0;
	(pc) =	sbr.rel @p0 .LBB2_2-.Ltmp0, $4  }
0x23: {  	[sflag:s10] =	ssyncadd.s32 $0xFFFFFF80  }
0x24: {  	[spmem:s2] =	stream.indirect.scatter.add.f32 [tilespmem:s9], [sflag:$0x1], $0x1, s3, s9, $0xb8;
	[tilespmem:$0x380] =	vst v63  }
0x25: {  	_ =	swait.ge [sflag:s10], $0x80  }
0x26: {  	s15 =	smov.u32 s17;
	[sflag:s10] =	ssyncset.done $0x0  }
0x27: {  	s14 =	sadd.s32 s14, s8;
	[sflag:s10] =	ssyncadd.s32 $0xFFFFFF80  }
0x28: {  	[tilespmem:s3], [sflag:$0x1] =	stream.linear.gather [hbm4b:s14+s3], $0x80, $0x38;
	[tilespmem:$0x380] =	vst v63  }
0x29: {  	_ =	swait.ge [sflag:s10], $0x80  }
0x2a: {  	[sflag:s10] =	ssyncset.done $0x0  }
0x2b: {  	[sflag:s10] =	ssyncadd.s32 $0xFFFFFF80  }
0x2c: {  	[spmem:s2] =	stream.indirect.scatter.add.f32 [tilespmem:s9], [sflag:$0x1], $0x1, s3, s9, $0xb8;
	[tilespmem:$0x380] =	vst v63  }
0x2d: {  	_ =	swait.ge [sflag:s10], $0x80  }
0x2e: {  	s13 =	sadd.s32 $0x1, s13;
	[sflag:s10] =	ssyncset.done $0x0  }
0x2f: {  	p0 =	sne.s32 s13, s7;
	[sflag:s10] =	ssyncadd.s32 $0xFFFFFF80  }
.Ltmp1:
0x30: {  	[bflag:$0x0] =	sbarrier.arrive $0xFFFF;
	(pc) =	sbr.rel @p0 .LBB2_1-.Ltmp1, $4  }
0x31: {  	[hbm:s6], [sflag:s11] =	dma.local [spmem:s12], $0x50  }
0x32: {  	_ =	swait.ge [sflag:s10], $0x50  }
0x33: {  	[sflag:s10] =	ssyncset.done $0x0  }
0x34: {  	[sflag:s10] =	ssyncadd.s32 $0xFFFFFFB0  }
0x35: {  	_ =	sfence.sel $0x180000  }
0x36: {  	[bflag:$0x0] =	sbarrier.arrive $0xFFFF  }
0x37: {  	p0 =	sne.s32 s1, $0x0;
	_ =	strace $0x90000047  }
0x38: {  	s0 =	sadd.s32 @!p0 $0x100000, s0;
	[bflag:$0x2] =	sbarrier.arrive $0xFFFF  }
0x39: {  	[sflag:s0] =	ssyncadd.tile.s32 @!p0 $0x1;
	_ =	shalt  }
.Lfunc_end2:
_tile_overlayer_lowered:
.L_overlay_start_2:
0x3a: {  	(tag) =	ssettag $0x2  }
0x3b: {  	s0 =	rddreg [dreg:$0x0];
	s2 =	stileid.u32  }
0x3c: {  	s1 =	rddreg [dreg:$0x1];
	p0 =	sne.s32 s2, $0x0  }
0x3d: {  	s3 =	rddreg [dreg:$0x2];
	[bflag:$0x3] =	sbarrier.arrive $0xFFFF;
	s2 =	simm.s32 @!p0 $0x1C01  }
0x3e: {  	[timem:s3], [sflag:s2] =	dma.local @!p0 [hbm:s0], s1  }
0x3f: {  	s0 =	simm.s32 @!p0 $0x1  }
0x40: {  	_ =	swait.ge @!p0 [sflag:s0], s1  }
0x41: {  	s1 =	ssub.s32 @!p0 $0x0, s1;
	[sflag:s0] =	ssyncset.done @!p0 $0x0  }
0x42: {  	[sflag:s0] =	ssyncadd.s32 @!p0 s1  }
0x43: {  	[bflag:$0x3] =	sbarrier.arrive $0xFFFF  }
0x44: {  	_ =	shalt  }

// kernel: kernel.16.cloned.1.call-start
scs
__scs_entry_jumppad:
0x0: {  	(pc) =	sbr.rel $0x88, $3  }
0x1: {  	(tag) =	ssettag $0x0;
	lr =	simm.s32 $0x1  }
0x2: {  	[smem:$0x3F94] =	sst lr;
	_ =	strace $0xD0000000  }
0x3: {  	_ = 	snop  }
0x4: {  	_ = 	snop  }
0x5: {  	_ = 	snop  }
0x6: {  	_ = 	snop  }
0x7: {  	_ = 	snop  }
__scs_overlays_trampoline_lowered:
0x8: {  	[smem:$0x3FA3] =	sst s0  }
0x9: {  	[smem:$0x3FA4] =	sst s1  }
0xa: {  	[smem:$0x3FA5] =	sst s2  }
0xb: {  	[smem:$0x3FA6] =	sst s3  }
0xc: {  	[smem:$0x3FA7] =	sst s4  }
0xd: {  	[smem:$0x3FA8] =	sst s5  }
0xe: {  	[smem:$0x3FA9] =	sst s6  }
0xf: {  	[smem:$0x3FAA] =	sst s7  }
0x10: {  	[smem:$0x3FAB] =	sst s8  }
0x11: {  	[smem:$0x3FAC] =	sst s9;
	s0 =	simm.s32 @!p0 $0x0  }
0x12: {  	s1 =	sld [smem:$0x3F92];
	s0 =	simm.s32 @p0 $0x1  }
0x13: {  	[smem:$0x3FAD] =	sst s0;
	s0 =	simm.s32 @!p1 $0x0  }
0x14: {  	s2 =	sld [smem:$0x3F91];
	s0 =	simm.s32 @p1 $0x1  }
0x15: {  	[smem:$0x3FAE] =	sst s0;
	s0 =	simm.s32 @!p2 $0x0  }
0x16: {  	s3 =	sld [smem:$0x3FDB];
	s0 =	simm.s32 @p2 $0x1  }
0x17: {  	s4 =	simm.s32 $0x1BF5;
	[smem:$0x3FB0] =	sst s0  }
0x18: {  	s0 =	sld [smem:$0x3F93];
	_ =	swait.ge [sflag:s4], $0x0  }
0x19: {  	s7 =	sld [smem:$0x3F94]  }
0x1a: {  	s8 =	sadd.s32 $0xFFFFE003, lr  }
0x1b: {  	s9 =	sadd.s32 $0xFFFFFEF7, lr;
	s5 =	simm.s32 $0xFFFFFFFF;
	p2 =	slt.u32 s8, $0xFFFFF086  }
0x1c: {  	p1 =	slt.u32 s9, $0xF7A;
	s5 =	simm.s32 @!p2 $0x0  }
0x1d: {  	s5 =	simm.s32 @p1 $0x1;
	p0 =	seq.s32 s7, s2  }
0x1e: {  	s7 =	smul.u32 @!p0 $0xF7A, s2;
	p2 =	seq.s32 @!p0 s5, $0x0  }
0x1f: {  	s9 =	smul.u32 $0xF7A, s1;
	s8 =	simm.s32 @!p0 $0x1BF5;
	p2 =	por !p2, p0  }
0x20: {  	[sflag:s8] =	ssyncset.s32 @!p0 $0xFFFFF086;
	s6 =	sadd.s32 @!p0 s3, s7;
	s7 =	simm.s32 @!p0 $0x108  }
0x21: {  	s3 =	sadd.s32 s3, s9;
	s6 =	sadd.s32 @!p0 $0x88, s6;
	s7 =	simm.s32 @p2 $0x1082  }
0x22: {  	[simem:s7], [sflag:s8] =	dma.local @!p0 [hbm:s6], $0xF7A  }
0x23: {  	s9 =	sor.u32 $0xD0000000, s2;
	s6 =	simm.s32 $0x108;
	_ =	swait.ge @!p0 [sflag:s8], $0x0  }
0x24: {  	s3 =	sadd.s32 $0x88, s3;
	s6 =	simm.s32 @!p1 $0x1082;
	[sflag:s4] =	ssyncset.s32 $0xFFFFF086  }
0x25: {  	[simem:s6], [sflag:s4] =	dma.local [hbm:s3], $0xF7A  }
0x26: {  	[smem:$0x3F94] =	sst s1;
	(tag) =	ssettag s2;
	_ =	strace s9  }
0x27: {  	s1 =	sld [smem:$0x3FA4]  }
0x28: {  	s2 =	sld [smem:$0x3FA5]  }
0x29: {  	s4 =	sld [smem:$0x3FA7]  }
0x2a: {  	p0 =	seq.s32 s5, $0x0;
	s5 =	sld [smem:$0x3FA8]  }
0x2b: {  	s6 =	sld [smem:$0x3FA9]  }
0x2c: {  	s7 =	sld [smem:$0x3FAA]  }
0x2d: {  	s3 =	simm.s32 $0x108;
	s8 =	sld [smem:$0x3FAB]  }
0x2e: {  	s3 =	simm.s32 @!p0 $0x1082;
	s9 =	sld [smem:$0x3FAC]  }
0x2f: {  	lr =	sadd.s32 s0, s3;
	s0 =	sld [smem:$0x3FA3]  }
0x30: {  	s3 =	sld [smem:$0x3FA6]  }
0x31: {  	[smem:$0x3FAF] =	sst s10  }
0x32: {  	s10 =	sld [smem:$0x3FAD];
	_ =	sdelay $0x3  }
0x33: {  	p0 =	seq.s32 s10, $0x1;
	s10 =	sld [smem:$0x3FAF];
	_ =	sdelay $0x3  }
0x34: {  	[smem:$0x3FAF] =	sst s10  }
0x35: {  	s10 =	sld [smem:$0x3FAE];
	_ =	sdelay $0x3  }
0x36: {  	p1 =	seq.s32 s10, $0x1;
	s10 =	sld [smem:$0x3FAF];
	_ =	sdelay $0x3  }
0x37: {  	[smem:$0x3FAF] =	sst s10  }
0x38: {  	s10 =	sld [smem:$0x3FB0]  }
0x39: {  	_ = 	snop;
	(pc) =	sbr.ind lr, $3  }
0x3a: {  	_ = 	snop  }
0x3b: {  	_ = 	snop  }
0x3c: {  	p2 =	seq.s32 s10, $0x1;
	s10 =	sld [smem:$0x3FAF]  }
0x3d: {  	_ =	shalt  }
0x3e: {  	_ =	shalt  }
0x3f: {  	_ =	shalt  }
0x40: {  	_ =	shalt  }
0x41: {  	_ =	shalt  }
0x42: {  	_ =	shalt  }
0x43: {  	_ =	shalt  }
0x44: {  	_ =	shalt  }
0x45: {  	_ =	shalt  }
0x46: {  	_ =	shalt  }
0x47: {  	_ =	shalt  }
0x48: {  	_ =	shalt  }
0x49: {  	_ =	shalt  }
0x4a: {  	_ =	shalt  }
0x4b: {  	_ =	shalt  }
0x4c: {  	_ =	shalt  }
0x4d: {  	_ =	shalt  }
0x4e: {  	_ =	shalt  }
0x4f: {  	_ =	shalt  }
0x50: {  	_ =	shalt  }
0x51: {  	_ =	shalt  }
0x52: {  	_ =	shalt  }
0x53: {  	_ =	shalt  }
0x54: {  	_ =	shalt  }
0x55: {  	_ =	shalt  }
0x56: {  	_ =	shalt  }
0x57: {  	_ =	shalt  }
0x58: {  	_ =	shalt  }
0x59: {  	_ =	shalt  }
0x5a: {  	_ =	shalt  }
0x5b: {  	_ =	shalt  }
0x5c: {  	_ =	shalt  }
0x5d: {  	_ =	shalt  }
0x5e: {  	_ =	shalt  }
0x5f: {  	_ =	shalt  }
0x60: {  	_ =	shalt  }
0x61: {  	_ =	shalt  }
0x62: {  	_ =	shalt  }
0x63: {  	_ =	shalt  }
0x64: {  	_ =	shalt  }
0x65: {  	_ =	shalt  }
0x66: {  	_ =	shalt  }
0x67: {  	_ =	shalt  }
0x68: {  	_ =	shalt  }
0x69: {  	_ =	shalt  }
0x6a: {  	_ =	shalt  }
0x6b: {  	_ =	shalt  }
0x6c: {  	_ =	shalt  }
0x6d: {  	_ =	shalt  }
0x6e: {  	_ =	shalt  }
0x6f: {  	_ =	shalt  }
0x70: {  	_ =	shalt  }
0x71: {  	_ =	shalt  }
0x72: {  	_ =	shalt  }
0x73: {  	_ =	shalt  }
0x74: {  	_ =	shalt  }
0x75: {  	_ =	shalt  }
0x76: {  	_ =	shalt  }
0x77: {  	_ =	shalt  }
0x78: {  	_ =	shalt  }
0x79: {  	_ =	shalt  }
0x7a: {  	_ =	shalt  }
0x7b: {  	_ =	shalt  }
0x7c: {  	_ =	shalt  }
0x7d: {  	_ =	shalt  }
0x7e: {  	_ =	shalt  }
0x7f: {  	_ =	shalt  }
0x80: {  	_ =	shalt  }
0x81: {  	_ =	shalt  }
0x82: {  	_ =	shalt  }
0x83: {  	_ =	shalt  }
0x84: {  	_ =	shalt  }
0x85: {  	_ =	shalt  }
0x86: {  	_ =	shalt  }
0x87: {  	_ =	shalt  }
.Lfunc_end0:
.L_simem_size_0:
called_computation.1_lowered:
.L_overlay_start_0:
0x88: {  	s2 =	sld [smem:$0x3FD9]  }
0x89: {  	s3 =	sld [smem:$0x3FFE];
	_ =	sdelay $0x1  }
0x8a: {  	s1 =	srdreg.scid  }
0x8b: {  	s0 =	sand.u32 $0x1, s1  }
0x8c: {  	s16 =	sshll.u32 s0, $0xA;
	s2 =	sadd.s32 s3, s2  }
0x8d: {  	s2 =	sadd.s32 s2, s16  }
0x8e: {  	[smem:$0x3FBB] =	sst s2  }
0x8f: {  	_ = 	snop  }
0x90: {  	(tm) =	ssettm $0x1  }
0x91: {  	s17 =	sld [smem:$0x3FFB];
	_ =	sdelay $0x3  }
0x92: {  	_ =	strace s17  }
0x93: {  	s2 =	sld [smem:$0x3FFC];
	_ =	sdelay $0x3  }
0x94: {  	_ =	strace s2  }
0x95: {  	s2 =	sld [smem:$0x3FFD];
	_ =	sdelay $0x3  }
0x96: {  	_ =	strace s2  }
0x97: {  	_ =	strace $0x8FFFFFFF  }
0x98: {  	s18 =	sld [smem:$0x3FDB];
	_ =	sdelay $0x1  }
0x99: {  	s19 =	simm.s32 $_scs_section_size  }
0x9a: {  	s4 =	simm.s32 $_size__tile_overlayer_lowered;
	s5 =	simm.s32 $_tile_overlayer_lowered  }
0x9b: {  	s22 =	simm.s32 $0x1BFF;
	s21 =	sshll.u32 s5, $0x1;
	s2 =	sadd.s32 s19, s18  }
0x9c: {  	s6 =	simm.s32 $0x0;
	s20 =	sshll.u32 s4, $0x1;
	s4 =	sadd.s32 s21, s2  }
0x9d: {  	[timem:s6], [sflag:s22] =	dma.local [hbm:s4], s20  }
0x9e: {  	_ =	swait.ge [sflag:s22], s20  }
0x9f: {  	s3 =	ssub.s32 $0x0, s20;
	[sflag:s22] =	ssyncset.done $0x0  }
0xa0: {  	[sflag:s22] =	ssyncadd.s32 s3;
	_ =	sdelay $0x1  }
0xa1: {  	s23 =	simm.s32 $0x1B8B  }
0xa2: {  	_ =	swait.ge [sflag:s23], $0x1  }
0xa3: {  	[sflag:s23] =	ssyncset.done $0x0  }
0xa4: {  	s25 =	simm.s32 $0x1B8E;
	s24 =	sld [smem:$0x3FFE];
	[sflag:s23] =	ssyncadd.s32 $0xFFFFFFFF  }
0xa5: {  	s26 =	simm.s32 $execute0_lowered;
	[smem:$0x3FD2] =	sst s25  }
0xa6: {  	s4 =	sshll.u32 s26, $0x1;
	_ =	strace $0x80000049;
	[dreg:$0x1] =	wrdreg $0xFFFFFFFF  }
0xa7: {  	s28 =	simm.s32 $_size_execute0_lowered;
	s2 =	sadd.s32 s2, s4;
	[dreg:$0x0] =	wrdreg $0x0  }
0xa8: {  	s4 =	sshll.u32 s28, $0x1;
	[dreg:$0x2] =	wrdreg s2  }
0xa9: {  	[dreg:$0x3] =	wrdreg s4  }
0xaa: {  	[dreg:$0x4] =	wrdreg $0xC0  }
0xab: {  	_ =	task [dreg:s6], $0x5FFFF  }
0xac: {  	[dreg:$0x1] =	wrdreg $0xFFFFFFFF  }
0xad: {  	[dreg:$0x0] =	wrdreg $0x60  }
0xae: {  	[dreg:$0x2] =	wrdreg s24  }
0xaf: {  	[dreg:$0x3] =	wrdreg $0x41000  }
0xb0: {  	[dreg:$0x4] =	wrdreg $0x9  }
0xb1: {  	_ =	task.clear_ibuf [dreg:s6], $0x5FFFF;
	_ =	strace $0x90000049  }
0xb2: {  	s29 =	simm.s32 $0x9;
	_ =	strace $0x8000004B  }
0xb3: {  	_ =	swait.ge [sflag:s29], $0x1  }
0xb4: {  	[sflag:s29] =	ssyncadd.s32 $0xFFFFFFFF  }
0xb5: {  	_ =	strace $0x9000004B  }
0xb6: {  	_ =	sfence  }
0xb7: {  	s30 =	sld [smem:$0x0];
	_ =	sdelay $0x2  }
0xb8: {  	s31 =	sshll.u32 s1, $0xD;
	s1 =	sshrl.u32 s1, $0x2  }
0xb9: {  	s3 =	sand.u32 $0x4000, s31;
	s1 =	sadd.s32 s1, s30  }
0xba: {  	s0 =	sor.u32 s3, s0;
	s1 =	sshll.u32 s1, $0x11  }
0xbb: {  	s0 =	sor.u32 s1, s0  }
0xbc: {  	s0 =	sadd.s32 $0x8F2B, s0  }
0xbd: {  	[sflag:s0] =	ssyncadd.remote.s32 $0x1  }
0xbe: {  	_ =	sfence.sel $0xFFFF  }
0xbf: {  	[dreg:$0x0] =	wrdreg $0xFFFFFFFF;
	(pc) =	sbr.abs _section_cstart, $3  }
0xc0: {  	[dreg:$0x1] =	wrdreg $0xFFFFFFFF  }
0xc1: {  	_ =	task.clear_ibuf [dreg:s6], $0x2FFFF;
	_ =	strace $0x9FFFFFFF  }
0xc2: {  	(tm) =	ssettm $0x7FFFFFFF  }
0xc3: {  	_ =	shalt  }
tec
execute0_lowered:
.L_overlay_start_1:
0x0: {  	(tag) =	ssettag $0x1  }
0x1: {  	s5 =	rddreg [dreg:$0x0]  }
0x2: {  	s2 =	rddreg [dreg:$0x1]  }
0x3: {  	s0 =	rddreg [dreg:$0x2];
	s1 =	stileid.u32  }
0x4: {  	s4 =	srdreg.scid;
	s3 =	simm.s32 $0x0;
	s7 =	smul.u32 $0x2800, s1  }
0x5: {  	s13 =	simm.s32 $0x80;
	s14 =	simm.s32 $0x100;
	s10 =	smul.u32 $0x50000, s1  }
0x6: {  	s15 =	simm.s32 $0x1;
	s6 =	sand.u32 $0x1, s4;
	s30 =	smul.u32 $0x4F0, s1  }
0x7: {  	s16 =	simm.s32 $0x0;
	[smem:$0x7FF] =	sst s3;
	s8 =	smul.u32 $0x28000, s6  }
0x8: {  	s4 =	sadd.s32 $0x19000, s5;
	s9 =	smul.u32 $0x4F00, s6;
	s6 =	ssub.s32 $0x2, s6  }
0x9: {  	s31 =	sshll.u32 s1, $0x6;
	_ =	strace $0x8000004A;
	s28 =	sshrl.u32 s6, $0x1  }
0xa: {  	s29 =	sshrl.u32 s10, $0x2;
	s8 =	sadd.s32 s7, s8;
	s9 =	sadd.s32 s9, s5  }
0xb: {  	s11 =	ssub.s32 s6, s28;
	s12 =	sadd.s32 s29, s2;
	s6 =	sor.u32 $0x1C02, s31  }
0xc: {  	s8 =	sadd.s32 s8, s5;
	s5 =	sadd.s32 s4, s7;
	s10 =	sadd.s32 s30, s9  }
0xd: {  	s7 =	sadd.s32 $0x69000, s8;
	s8 =	smax.u32 s11, $0x1;
	s9 =	sadd.s32 $0x4C00, s10  }
0xe: {  	s10 =	sadd.s32 $0xF200, s10;
	s11 =	sshrl.u32 s12, $0x3;
	s12 =	simm.s32 $0x2  }
.LBB2_1:
0xf: {  	[spmem:s11], [sflag:s6] =	dma.local [hbm:s5], $0x2800  }
0x10: {  	_ =	swait.ge [sflag:s12], $0x2800  }
0x11: {  	[sflag:s12] =	ssyncset.done $0x0  }
0x12: {  	[sflag:s12] =	ssyncadd.s32 $0xFFFFD800  }
0x13: {  	s17 =	sadd.s32 $0x0, s10;
	[bflag:$0x0] =	sbarrier.arrive $0xFFFF  }
0x14: {  	[tilespmem:s3], [sflag:$0x2] =	stream.linear.gather [hbm4b:s17+s3], $0x80, $0x38;
	[tilespmem:$0x18100] =	vst v63  }
0x15: {  	_ =	swait.ge [sflag:s12], $0x80  }
0x16: {  	[sflag:s12] =	ssyncset.done $0x0  }
0x17: {  	s31 =	sadd.s32 $0x0, s9;
	[sflag:s12] =	ssyncadd.s32 $0xFFFFFF80  }
0x18: {  	[tilespmem:s13], [sflag:$0x2] =	stream.linear.gather [hbm4b:s31+s3], $0x80, $0x38;
	[tilespmem:$0x18100] =	vst v63  }
0x19: {  	_ =	swait.ge [sflag:s12], $0x80  }
0x1a: {  	[sflag:s12] =	ssyncset.done $0x0  }
0x1b: {  	[sflag:s12] =	ssyncadd.s32 $0xFFFFFF80  }
0x1c: {  	[tilespmem:s14], [sflag:$0x1] =	stream.indirect.gather [hbm4b:s4+s13], $0x80, s3, s13, $0xb8;
	[tilespmem:$0x18100] =	vst v63  }
0x1d: {  	_ =	swait.ge [sflag:s15], $0x4000  }
0x1e: {  	[sflag:s15] =	ssyncset.done $0x0  }
0x1f: {  	[sflag:s15] =	ssyncadd.s32 $0xFFFFC000  }
0x20: {  	[spmem:s2] =	stream.indirect.scatter.add.f32 [tilespmem:s14], [sflag:$0x2], $0x80, s13, s13, $0xb8;
	[tilespmem:$0x18100] =	vst v63  }
0x21: {  	_ =	swait.ge [sflag:s12], $0x4000  }
0x22: {  	s18 =	simm.s32 $0x20;
	s17 =	simm.s32 $0x10;
	[sflag:s12] =	ssyncset.done $0x0  }
.LBB2_2:
0x23: {  	s19 =	sadd.s32 s17, s10  }
0x24: {  	[sflag:s12] =	ssyncadd.s32 $0xFFFFC000;
	s20 =	smov.u32 s18;
	s21 =	sadd.s32 $0x10, s18  }
0x25: {  	[tilespmem:s3], [sflag:$0x2] =	stream.linear.gather [hbm4b:s19+s3], $0x80, $0x38;
	[tilespmem:$0x18100] =	vst v63  }
0x26: {  	p0 =	sne.s32 s18, $0x4E0;
	_ =	swait.ge [sflag:s12], $0x80  }
0x27: {  	[sflag:s12] =	ssyncset.done $0x0  }
0x28: {  	s18 =	sadd.s32 s17, s9;
	s17 =	smov.u32 s20;
	[sflag:s12] =	ssyncadd.s32 $0xFFFFFF80  }
0x29: {  	[tilespmem:s13], [sflag:$0x2] =	stream.linear.gather [hbm4b:s18+s3], $0x80, $0x38;
	[tilespmem:$0x18100] =	vst v63  }
0x2a: {  	_ =	swait.ge [sflag:s12], $0x80  }
0x2b: {  	[sflag:s12] =	ssyncset.done $0x0  }
0x2c: {  	[sflag:s12] =	ssyncadd.s32 $0xFFFFFF80  }
0x2d: {  	[tilespmem:s14], [sflag:$0x1] =	stream.indirect.gather [hbm4b:s4+s13], $0x80, s3, s13, $0xb8;
	[tilespmem:$0x18100] =	vst v63  }
0x2e: {  	_ =	swait.ge [sflag:s15], $0x4000  }
.Ltmp0:
0x2f: {  	[sflag:s15] =	ssyncset.done $0x0;
	(pc) =	sbr.rel @p0 .LBB2_2-.Ltmp0, $4  }
0x30: {  	[sflag:s15] =	ssyncadd.s32 $0xFFFFC000  }
0x31: {  	[spmem:s2] =	stream.indirect.scatter.add.f32 [tilespmem:s14], [sflag:$0x2], $0x80, s13, s13, $0xb8;
	[tilespmem:$0x18100] =	vst v63  }
0x32: {  	_ =	swait.ge [sflag:s12], $0x4000  }
0x33: {  	s18 =	smov.u32 s21;
	[sflag:s12] =	ssyncset.done $0x0  }
0x34: {  	s18 =	sadd.s32 s17, s10;
	[sflag:s12] =	ssyncadd.s32 $0xFFFFC000  }
0x35: {  	[tilespmem:s3], [sflag:$0x2] =	stream.linear.gather [hbm4b:s18+s3], $0x80, $0x38;
	[tilespmem:$0x18100] =	vst v63  }
0x36: {  	_ =	swait.ge [sflag:s12], $0x80  }
0x37: {  	[sflag:s12] =	ssyncset.done $0x0  }
0x38: {  	s31 =	sadd.s32 s17, s9;
	[sflag:s12] =	ssyncadd.s32 $0xFFFFFF80  }
0x39: {  	[tilespmem:s13], [sflag:$0x2] =	stream.linear.gather [hbm4b:s31+s3], $0x80, $0x38;
	[tilespmem:$0x18100] =	vst v63  }
0x3a: {  	_ =	swait.ge [sflag:s12], $0x80  }
0x3b: {  	[sflag:s12] =	ssyncset.done $0x0  }
0x3c: {  	[sflag:s12] =	ssyncadd.s32 $0xFFFFFF80  }
0x3d: {  	[tilespmem:s14], [sflag:$0x1] =	stream.indirect.gather [hbm4b:s4+s13], $0x80, s3, s13, $0xb8;
	[tilespmem:$0x18100] =	vst v63  }
0x3e: {  	_ =	swait.ge [sflag:s15], $0x4000  }
0x3f: {  	[sflag:s15] =	ssyncset.done $0x0  }
0x40: {  	[sflag:s15] =	ssyncadd.s32 $0xFFFFC000  }
0x41: {  	[spmem:s2] =	stream.indirect.scatter.add.f32 [tilespmem:s14], [sflag:$0x2], $0x80, s13, s13, $0xb8;
	[tilespmem:$0x18100] =	vst v63  }
0x42: {  	_ =	swait.ge [sflag:s12], $0x4000  }
0x43: {  	s16 =	sadd.s32 $0x1, s16;
	[sflag:s12] =	ssyncset.done $0x0  }
0x44: {  	p0 =	sne.s32 s16, s8;
	[sflag:s12] =	ssyncadd.s32 $0xFFFFC000  }
.Ltmp1:
0x45: {  	[bflag:$0x0] =	sbarrier.arrive $0xFFFF;
	(pc) =	sbr.rel @p0 .LBB2_1-.Ltmp1, $4  }
0x46: {  	[hbm:s7], [sflag:s6] =	dma.local [spmem:s11], $0x2800  }
0x47: {  	_ =	swait.ge [sflag:s12], $0x2800  }
0x48: {  	[sflag:s12] =	ssyncset.done $0x0  }
0x49: {  	[sflag:s12] =	ssyncadd.s32 $0xFFFFD800  }
0x4a: {  	_ =	sfence.sel $0x180000  }
0x4b: {  	[bflag:$0x0] =	sbarrier.arrive $0xFFFF  }
0x4c: {  	p0 =	sne.s32 s1, $0x0;
	_ =	strace $0x9000004A  }
0x4d: {  	s0 =	sadd.s32 @!p0 $0x100000, s0;
	[bflag:$0x2] =	sbarrier.arrive $0xFFFF  }
0x4e: {  	[sflag:s0] =	ssyncadd.tile.s32 @!p0 $0x1;
	_ =	shalt  }
.Lfunc_end2:
_tile_overlayer_lowered:
.L_overlay_start_2:
0x4f: {  	(tag) =	ssettag $0x2  }
0x50: {  	s0 =	rddreg [dreg:$0x0];
	s2 =	stileid.u32  }
0x51: {  	s1 =	rddreg [dreg:$0x1];
	p0 =	sne.s32 s2, $0x0  }
0x52: {  	s3 =	rddreg [dreg:$0x2];
	[bflag:$0x3] =	sbarrier.arrive $0xFFFF;
	s2 =	simm.s32 @!p0 $0x1C02  }
0x53: {  	[timem:s3], [sflag:s2] =	dma.local @!p0 [hbm:s0], s1  }
0x54: {  	s0 =	simm.s32 @!p0 $0x2  }
0x55: {  	_ =	swait.ge @!p0 [sflag:s0], s1  }
0x56: {  	s1 =	ssub.s32 @!p0 $0x0, s1;
	[sflag:s0] =	ssyncset.done @!p0 $0x0  }
0x57: {  	[sflag:s0] =	ssyncadd.s32 @!p0 s1  }
0x58: {  	[bflag:$0x3] =	sbarrier.arrive $0xFFFF  }
0x59: {  	_ =	shalt  }

// kernel: kernel.19.cloned.1.call-start
scs
__scs_entry_jumppad:
0x0: {  	(pc) =	sbr.rel $0x88, $3  }
0x1: {  	(tag) =	ssettag $0x0;
	lr =	simm.s32 $0x1  }
0x2: {  	[smem:$0x3F94] =	sst lr;
	_ =	strace $0xD0000000  }
0x3: {  	_ = 	snop  }
0x4: {  	_ = 	snop  }
0x5: {  	_ = 	snop  }
0x6: {  	_ = 	snop  }
0x7: {  	_ = 	snop  }
__scs_overlays_trampoline_lowered:
0x8: {  	[smem:$0x3FA3] =	sst s0  }
0x9: {  	[smem:$0x3FA4] =	sst s1  }
0xa: {  	[smem:$0x3FA5] =	sst s2  }
0xb: {  	[smem:$0x3FA6] =	sst s3  }
0xc: {  	[smem:$0x3FA7] =	sst s4  }
0xd: {  	[smem:$0x3FA8] =	sst s5  }
0xe: {  	[smem:$0x3FA9] =	sst s6  }
0xf: {  	[smem:$0x3FAA] =	sst s7  }
0x10: {  	[smem:$0x3FAB] =	sst s8  }
0x11: {  	[smem:$0x3FAC] =	sst s9;
	s0 =	simm.s32 @!p0 $0x0  }
0x12: {  	s1 =	sld [smem:$0x3F92];
	s0 =	simm.s32 @p0 $0x1  }
0x13: {  	[smem:$0x3FAD] =	sst s0;
	s0 =	simm.s32 @!p1 $0x0  }
0x14: {  	s2 =	sld [smem:$0x3F91];
	s0 =	simm.s32 @p1 $0x1  }
0x15: {  	[smem:$0x3FAE] =	sst s0;
	s0 =	simm.s32 @!p2 $0x0  }
0x16: {  	s3 =	sld [smem:$0x3FDB];
	s0 =	simm.s32 @p2 $0x1  }
0x17: {  	s4 =	simm.s32 $0x1BF5;
	[smem:$0x3FB0] =	sst s0  }
0x18: {  	s0 =	sld [smem:$0x3F93];
	_ =	swait.ge [sflag:s4], $0x0  }
0x19: {  	s7 =	sld [smem:$0x3F94]  }
0x1a: {  	s8 =	sadd.s32 $0xFFFFE003, lr  }
0x1b: {  	s9 =	sadd.s32 $0xFFFFFEF7, lr;
	s5 =	simm.s32 $0xFFFFFFFF;
	p2 =	slt.u32 s8, $0xFFFFF086  }
0x1c: {  	p1 =	slt.u32 s9, $0xF7A;
	s5 =	simm.s32 @!p2 $0x0  }
0x1d: {  	s5 =	simm.s32 @p1 $0x1;
	p0 =	seq.s32 s7, s2  }
0x1e: {  	s7 =	smul.u32 @!p0 $0xF7A, s2;
	p2 =	seq.s32 @!p0 s5, $0x0  }
0x1f: {  	s9 =	smul.u32 $0xF7A, s1;
	s8 =	simm.s32 @!p0 $0x1BF5;
	p2 =	por !p2, p0  }
0x20: {  	[sflag:s8] =	ssyncset.s32 @!p0 $0xFFFFF086;
	s6 =	sadd.s32 @!p0 s3, s7;
	s7 =	simm.s32 @!p0 $0x108  }
0x21: {  	s3 =	sadd.s32 s3, s9;
	s6 =	sadd.s32 @!p0 $0x88, s6;
	s7 =	simm.s32 @p2 $0x1082  }
0x22: {  	[simem:s7], [sflag:s8] =	dma.local @!p0 [hbm:s6], $0xF7A  }
0x23: {  	s9 =	sor.u32 $0xD0000000, s2;
	s6 =	simm.s32 $0x108;
	_ =	swait.ge @!p0 [sflag:s8], $0x0  }
0x24: {  	s3 =	sadd.s32 $0x88, s3;
	s6 =	simm.s32 @!p1 $0x1082;
	[sflag:s4] =	ssyncset.s32 $0xFFFFF086  }
0x25: {  	[simem:s6], [sflag:s4] =	dma.local [hbm:s3], $0xF7A  }
0x26: {  	[smem:$0x3F94] =	sst s1;
	(tag) =	ssettag s2;
	_ =	strace s9  }
0x27: {  	s1 =	sld [smem:$0x3FA4]  }
0x28: {  	s2 =	sld [smem:$0x3FA5]  }
0x29: {  	s4 =	sld [smem:$0x3FA7]  }
0x2a: {  	p0 =	seq.s32 s5, $0x0;
	s5 =	sld [smem:$0x3FA8]  }
0x2b: {  	s6 =	sld [smem:$0x3FA9]  }
0x2c: {  	s7 =	sld [smem:$0x3FAA]  }
0x2d: {  	s3 =	simm.s32 $0x108;
	s8 =	sld [smem:$0x3FAB]  }
0x2e: {  	s3 =	simm.s32 @!p0 $0x1082;
	s9 =	sld [smem:$0x3FAC]  }
0x2f: {  	lr =	sadd.s32 s0, s3;
	s0 =	sld [smem:$0x3FA3]  }
0x30: {  	s3 =	sld [smem:$0x3FA6]  }
0x31: {  	[smem:$0x3FAF] =	sst s10  }
0x32: {  	s10 =	sld [smem:$0x3FAD];
	_ =	sdelay $0x3  }
0x33: {  	p0 =	seq.s32 s10, $0x1;
	s10 =	sld [smem:$0x3FAF];
	_ =	sdelay $0x3  }
0x34: {  	[smem:$0x3FAF] =	sst s10  }
0x35: {  	s10 =	sld [smem:$0x3FAE];
	_ =	sdelay $0x3  }
0x36: {  	p1 =	seq.s32 s10, $0x1;
	s10 =	sld [smem:$0x3FAF];
	_ =	sdelay $0x3  }
0x37: {  	[smem:$0x3FAF] =	sst s10  }
0x38: {  	s10 =	sld [smem:$0x3FB0]  }
0x39: {  	_ = 	snop;
	(pc) =	sbr.ind lr, $3  }
0x3a: {  	_ = 	snop  }
0x3b: {  	_ = 	snop  }
0x3c: {  	p2 =	seq.s32 s10, $0x1;
	s10 =	sld [smem:$0x3FAF]  }
0x3d: {  	_ =	shalt  }
0x3e: {  	_ =	shalt  }
0x3f: {  	_ =	shalt  }
0x40: {  	_ =	shalt  }
0x41: {  	_ =	shalt  }
0x42: {  	_ =	shalt  }
0x43: {  	_ =	shalt  }
0x44: {  	_ =	shalt  }
0x45: {  	_ =	shalt  }
0x46: {  	_ =	shalt  }
0x47: {  	_ =	shalt  }
0x48: {  	_ =	shalt  }
0x49: {  	_ =	shalt  }
0x4a: {  	_ =	shalt  }
0x4b: {  	_ =	shalt  }
0x4c: {  	_ =	shalt  }
0x4d: {  	_ =	shalt  }
0x4e: {  	_ =	shalt  }
0x4f: {  	_ =	shalt  }
0x50: {  	_ =	shalt  }
0x51: {  	_ =	shalt  }
0x52: {  	_ =	shalt  }
0x53: {  	_ =	shalt  }
0x54: {  	_ =	shalt  }
0x55: {  	_ =	shalt  }
0x56: {  	_ =	shalt  }
0x57: {  	_ =	shalt  }
0x58: {  	_ =	shalt  }
0x59: {  	_ =	shalt  }
0x5a: {  	_ =	shalt  }
0x5b: {  	_ =	shalt  }
0x5c: {  	_ =	shalt  }
0x5d: {  	_ =	shalt  }
0x5e: {  	_ =	shalt  }
0x5f: {  	_ =	shalt  }
0x60: {  	_ =	shalt  }
0x61: {  	_ =	shalt  }
0x62: {  	_ =	shalt  }
0x63: {  	_ =	shalt  }
0x64: {  	_ =	shalt  }
0x65: {  	_ =	shalt  }
0x66: {  	_ =	shalt  }
0x67: {  	_ =	shalt  }
0x68: {  	_ =	shalt  }
0x69: {  	_ =	shalt  }
0x6a: {  	_ =	shalt  }
0x6b: {  	_ =	shalt  }
0x6c: {  	_ =	shalt  }
0x6d: {  	_ =	shalt  }
0x6e: {  	_ =	shalt  }
0x6f: {  	_ =	shalt  }
0x70: {  	_ =	shalt  }
0x71: {  	_ =	shalt  }
0x72: {  	_ =	shalt  }
0x73: {  	_ =	shalt  }
0x74: {  	_ =	shalt  }
0x75: {  	_ =	shalt  }
0x76: {  	_ =	shalt  }
0x77: {  	_ =	shalt  }
0x78: {  	_ =	shalt  }
0x79: {  	_ =	shalt  }
0x7a: {  	_ =	shalt  }
0x7b: {  	_ =	shalt  }
0x7c: {  	_ =	shalt  }
0x7d: {  	_ =	shalt  }
0x7e: {  	_ =	shalt  }
0x7f: {  	_ =	shalt  }
0x80: {  	_ =	shalt  }
0x81: {  	_ =	shalt  }
0x82: {  	_ =	shalt  }
0x83: {  	_ =	shalt  }
0x84: {  	_ =	shalt  }
0x85: {  	_ =	shalt  }
0x86: {  	_ =	shalt  }
0x87: {  	_ =	shalt  }
.Lfunc_end0:
.L_simem_size_0:
called_computation.2_lowered:
.L_overlay_start_0:
0x88: {  	s2 =	sld [smem:$0x3FD9]  }
0x89: {  	s3 =	sld [smem:$0x3FFE];
	_ =	sdelay $0x1  }
0x8a: {  	s1 =	srdreg.scid  }
0x8b: {  	s0 =	sand.u32 $0x1, s1  }
0x8c: {  	s16 =	sshll.u32 s0, $0xA;
	s2 =	sadd.s32 s3, s2  }
0x8d: {  	s2 =	sadd.s32 s2, s16  }
0x8e: {  	[smem:$0x3FBB] =	sst s2  }
0x8f: {  	_ = 	snop  }
0x90: {  	(tm) =	ssettm $0x1  }
0x91: {  	s17 =	sld [smem:$0x3FFB];
	_ =	sdelay $0x3  }
0x92: {  	_ =	strace s17  }
0x93: {  	s2 =	sld [smem:$0x3FFC];
	_ =	sdelay $0x3  }
0x94: {  	_ =	strace s2  }
0x95: {  	s2 =	sld [smem:$0x3FFD];
	_ =	sdelay $0x3  }
0x96: {  	_ =	strace s2  }
0x97: {  	_ =	strace $0x8FFFFFFF  }
0x98: {  	s18 =	sld [smem:$0x3FDB];
	_ =	sdelay $0x1  }
0x99: {  	s19 =	simm.s32 $_scs_section_size  }
0x9a: {  	s4 =	simm.s32 $_size__tile_overlayer_lowered;
	s5 =	simm.s32 $_tile_overlayer_lowered  }
0x9b: {  	s22 =	simm.s32 $0x1BFF;
	s21 =	sshll.u32 s5, $0x1;
	s2 =	sadd.s32 s19, s18  }
0x9c: {  	s6 =	simm.s32 $0x0;
	s20 =	sshll.u32 s4, $0x1;
	s4 =	sadd.s32 s21, s2  }
0x9d: {  	[timem:s6], [sflag:s22] =	dma.local [hbm:s4], s20  }
0x9e: {  	_ =	swait.ge [sflag:s22], s20  }
0x9f: {  	s3 =	ssub.s32 $0x0, s20;
	[sflag:s22] =	ssyncset.done $0x0  }
0xa0: {  	[sflag:s22] =	ssyncadd.s32 s3;
	_ =	sdelay $0x1  }
0xa1: {  	s23 =	simm.s32 $0x1B8B  }
0xa2: {  	_ =	swait.ge [sflag:s23], $0x1  }
0xa3: {  	[sflag:s23] =	ssyncset.done $0x0  }
0xa4: {  	s25 =	simm.s32 $0x1B8E;
	s24 =	sld [smem:$0x3FFE];
	[sflag:s23] =	ssyncadd.s32 $0xFFFFFFFF  }
0xa5: {  	s26 =	simm.s32 $execute0_lowered;
	[smem:$0x3FD2] =	sst s25  }
0xa6: {  	s4 =	sshll.u32 s26, $0x1;
	_ =	strace $0x8000004C;
	[dreg:$0x1] =	wrdreg $0xFFFFFFFF  }
0xa7: {  	s28 =	simm.s32 $_size_execute0_lowered;
	s2 =	sadd.s32 s2, s4;
	[dreg:$0x0] =	wrdreg $0x0  }
0xa8: {  	s4 =	sshll.u32 s28, $0x1;
	[dreg:$0x2] =	wrdreg s2  }
0xa9: {  	[dreg:$0x3] =	wrdreg s4  }
0xaa: {  	[dreg:$0x4] =	wrdreg $0xC0  }
0xab: {  	_ =	task [dreg:s6], $0x5FFFF  }
0xac: {  	[dreg:$0x1] =	wrdreg $0xFFFFFFFF  }
0xad: {  	[dreg:$0x0] =	wrdreg $0x60  }
0xae: {  	[dreg:$0x2] =	wrdreg s24  }
0xaf: {  	[dreg:$0x3] =	wrdreg $0x41000  }
0xb0: {  	[dreg:$0x4] =	wrdreg $0x9  }
0xb1: {  	_ =	task.clear_ibuf [dreg:s6], $0x5FFFF;
	_ =	strace $0x9000004C  }
0xb2: {  	s29 =	simm.s32 $0x9;
	_ =	strace $0x8000004E  }
0xb3: {  	_ =	swait.ge [sflag:s29], $0x1  }
0xb4: {  	[sflag:s29] =	ssyncadd.s32 $0xFFFFFFFF  }
0xb5: {  	_ =	strace $0x9000004E  }
0xb6: {  	_ =	sfence  }
0xb7: {  	s30 =	sld [smem:$0x0];
	_ =	sdelay $0x2  }
0xb8: {  	s31 =	sshll.u32 s1, $0xD;
	s1 =	sshrl.u32 s1, $0x2  }
0xb9: {  	s3 =	sand.u32 $0x4000, s31;
	s1 =	sadd.s32 s1, s30  }
0xba: {  	s0 =	sor.u32 s3, s0;
	s1 =	sshll.u32 s1, $0x11  }
0xbb: {  	s0 =	sor.u32 s1, s0  }
0xbc: {  	s0 =	sadd.s32 $0x8F2B, s0  }
0xbd: {  	[sflag:s0] =	ssyncadd.remote.s32 $0x1  }
0xbe: {  	_ =	sfence.sel $0xFFFF  }
0xbf: {  	[dreg:$0x0] =	wrdreg $0xFFFFFFFF;
	(pc) =	sbr.abs _section_cstart, $3  }
0xc0: {  	[dreg:$0x1] =	wrdreg $0xFFFFFFFF  }
0xc1: {  	_ =	task.clear_ibuf [dreg:s6], $0x2FFFF;
	_ =	strace $0x9FFFFFFF  }
0xc2: {  	(tm) =	ssettm $0x7FFFFFFF  }
0xc3: {  	_ =	shalt  }
tec
execute0_lowered:
.L_overlay_start_1:
0x0: {  	(tag) =	ssettag $0x1  }
0x1: {  	s5 =	rddreg [dreg:$0x0]  }
0x2: {  	s2 =	rddreg [dreg:$0x1]  }
0x3: {  	s0 =	rddreg [dreg:$0x2];
	s1 =	stileid.u32  }
0x4: {  	s4 =	srdreg.scid;
	s3 =	simm.s32 $0x0;
	s7 =	smul.u32 $0x2800, s1  }
0x5: {  	s13 =	simm.s32 $0x80;
	s14 =	simm.s32 $0x100;
	s10 =	smul.u32 $0x50000, s1  }
0x6: {  	s15 =	simm.s32 $0x1;
	s6 =	sand.u32 $0x1, s4;
	s30 =	smul.u32 $0x4F0, s1  }
0x7: {  	s16 =	simm.s32 $0x0;
	[smem:$0x7FF] =	sst s3;
	s8 =	smul.u32 $0x28000, s6  }
0x8: {  	s4 =	sadd.s32 $0x19000, s5;
	s9 =	smul.u32 $0x4F00, s6;
	s6 =	ssub.s32 $0x2, s6  }
0x9: {  	s31 =	sshll.u32 s1, $0x6;
	_ =	strace $0x8000004D;
	s28 =	sshrl.u32 s6, $0x1  }
0xa: {  	s29 =	sshrl.u32 s10, $0x2;
	s8 =	sadd.s32 s7, s8;
	s9 =	sadd.s32 s9, s5  }
0xb: {  	s11 =	ssub.s32 s6, s28;
	s12 =	sadd.s32 s29, s2;
	s6 =	sor.u32 $0x1C02, s31  }
0xc: {  	s8 =	sadd.s32 s8, s5;
	s5 =	sadd.s32 s4, s7;
	s10 =	sadd.s32 s30, s9  }
0xd: {  	s7 =	sadd.s32 $0x69000, s8;
	s8 =	smax.u32 s11, $0x1;
	s9 =	sadd.s32 $0x4C00, s10  }
0xe: {  	s10 =	sadd.s32 $0xF200, s10;
	s11 =	sshrl.u32 s12, $0x3;
	s12 =	simm.s32 $0x2  }
.LBB2_1:
0xf: {  	[spmem:s11], [sflag:s6] =	dma.local [hbm:s5], $0x2800  }
0x10: {  	_ =	swait.ge [sflag:s12], $0x2800  }
0x11: {  	[sflag:s12] =	ssyncset.done $0x0  }
0x12: {  	[sflag:s12] =	ssyncadd.s32 $0xFFFFD800  }
0x13: {  	s17 =	sadd.s32 $0x0, s10;
	[bflag:$0x0] =	sbarrier.arrive $0xFFFF  }
0x14: {  	[tilespmem:s3], [sflag:$0x2] =	stream.linear.gather [hbm4b:s17+s3], $0x80, $0x38;
	[tilespmem:$0x18100] =	vst v63  }
0x15: {  	_ =	swait.ge [sflag:s12], $0x80  }
0x16: {  	[sflag:s12] =	ssyncset.done $0x0  }
0x17: {  	s31 =	sadd.s32 $0x0, s9;
	[sflag:s12] =	ssyncadd.s32 $0xFFFFFF80  }
0x18: {  	[tilespmem:s13], [sflag:$0x2] =	stream.linear.gather [hbm4b:s31+s3], $0x80, $0x38;
	[tilespmem:$0x18100] =	vst v63  }
0x19: {  	_ =	swait.ge [sflag:s12], $0x80  }
0x1a: {  	[sflag:s12] =	ssyncset.done $0x0  }
0x1b: {  	[sflag:s12] =	ssyncadd.s32 $0xFFFFFF80  }
0x1c: {  	[tilespmem:s14], [sflag:$0x1] =	stream.indirect.gather [hbm4b:s4+s13], $0x80, s3, s13, $0xb8;
	[tilespmem:$0x18100] =	vst v63  }
0x1d: {  	_ =	swait.ge [sflag:s15], $0x4000  }
0x1e: {  	[sflag:s15] =	ssyncset.done $0x0  }
0x1f: {  	[sflag:s15] =	ssyncadd.s32 $0xFFFFC000  }
0x20: {  	[spmem:s2] =	stream.indirect.scatter.add.f32 [tilespmem:s14], [sflag:$0x2], $0x80, s13, s13, $0xb8;
	[tilespmem:$0x18100] =	vst v63  }
0x21: {  	_ =	swait.ge [sflag:s12], $0x4000  }
0x22: {  	s18 =	simm.s32 $0x20;
	s17 =	simm.s32 $0x10;
	[sflag:s12] =	ssyncset.done $0x0  }
.LBB2_2:
0x23: {  	s19 =	sadd.s32 s17, s10  }
0x24: {  	[sflag:s12] =	ssyncadd.s32 $0xFFFFC000;
	s20 =	smov.u32 s18;
	s21 =	sadd.s32 $0x10, s18  }
0x25: {  	[tilespmem:s3], [sflag:$0x2] =	stream.linear.gather [hbm4b:s19+s3], $0x80, $0x38;
	[tilespmem:$0x18100] =	vst v63  }
0x26: {  	p0 =	sne.s32 s18, $0x4E0;
	_ =	swait.ge [sflag:s12], $0x80  }
0x27: {  	[sflag:s12] =	ssyncset.done $0x0  }
0x28: {  	s18 =	sadd.s32 s17, s9;
	s17 =	smov.u32 s20;
	[sflag:s12] =	ssyncadd.s32 $0xFFFFFF80  }
0x29: {  	[tilespmem:s13], [sflag:$0x2] =	stream.linear.gather [hbm4b:s18+s3], $0x80, $0x38;
	[tilespmem:$0x18100] =	vst v63  }
0x2a: {  	_ =	swait.ge [sflag:s12], $0x80  }
0x2b: {  	[sflag:s12] =	ssyncset.done $0x0  }
0x2c: {  	[sflag:s12] =	ssyncadd.s32 $0xFFFFFF80  }
0x2d: {  	[tilespmem:s14], [sflag:$0x1] =	stream.indirect.gather [hbm4b:s4+s13], $0x80, s3, s13, $0xb8;
	[tilespmem:$0x18100] =	vst v63  }
0x2e: {  	_ =	swait.ge [sflag:s15], $0x4000  }
.Ltmp0:
0x2f: {  	[sflag:s15] =	ssyncset.done $0x0;
	(pc) =	sbr.rel @p0 .LBB2_2-.Ltmp0, $4  }
0x30: {  	[sflag:s15] =	ssyncadd.s32 $0xFFFFC000  }
0x31: {  	[spmem:s2] =	stream.indirect.scatter.add.f32 [tilespmem:s14], [sflag:$0x2], $0x80, s13, s13, $0xb8;
	[tilespmem:$0x18100] =	vst v63  }
0x32: {  	_ =	swait.ge [sflag:s12], $0x4000  }
0x33: {  	s18 =	smov.u32 s21;
	[sflag:s12] =	ssyncset.done $0x0  }
0x34: {  	s18 =	sadd.s32 s17, s10;
	[sflag:s12] =	ssyncadd.s32 $0xFFFFC000  }
0x35: {  	[tilespmem:s3], [sflag:$0x2] =	stream.linear.gather [hbm4b:s18+s3], $0x80, $0x38;
	[tilespmem:$0x18100] =	vst v63  }
0x36: {  	_ =	swait.ge [sflag:s12], $0x80  }
0x37: {  	[sflag:s12] =	ssyncset.done $0x0  }
0x38: {  	s31 =	sadd.s32 s17, s9;
	[sflag:s12] =	ssyncadd.s32 $0xFFFFFF80  }
0x39: {  	[tilespmem:s13], [sflag:$0x2] =	stream.linear.gather [hbm4b:s31+s3], $0x80, $0x38;
	[tilespmem:$0x18100] =	vst v63  }
0x3a: {  	_ =	swait.ge [sflag:s12], $0x80  }
0x3b: {  	[sflag:s12] =	ssyncset.done $0x0  }
0x3c: {  	[sflag:s12] =	ssyncadd.s32 $0xFFFFFF80  }
0x3d: {  	[tilespmem:s14], [sflag:$0x1] =	stream.indirect.gather [hbm4b:s4+s13], $0x80, s3, s13, $0xb8;
	[tilespmem:$0x18100] =	vst v63  }
0x3e: {  	_ =	swait.ge [sflag:s15], $0x4000  }
0x3f: {  	[sflag:s15] =	ssyncset.done $0x0  }
0x40: {  	[sflag:s15] =	ssyncadd.s32 $0xFFFFC000  }
0x41: {  	[spmem:s2] =	stream.indirect.scatter.add.f32 [tilespmem:s14], [sflag:$0x2], $0x80, s13, s13, $0xb8;
	[tilespmem:$0x18100] =	vst v63  }
0x42: {  	_ =	swait.ge [sflag:s12], $0x4000  }
0x43: {  	s16 =	sadd.s32 $0x1, s16;
	[sflag:s12] =	ssyncset.done $0x0  }
0x44: {  	p0 =	sne.s32 s16, s8;
	[sflag:s12] =	ssyncadd.s32 $0xFFFFC000  }
.Ltmp1:
0x45: {  	[bflag:$0x0] =	sbarrier.arrive $0xFFFF;
	(pc) =	sbr.rel @p0 .LBB2_1-.Ltmp1, $4  }
0x46: {  	[hbm:s7], [sflag:s6] =	dma.local [spmem:s11], $0x2800  }
0x47: {  	_ =	swait.ge [sflag:s12], $0x2800  }
0x48: {  	[sflag:s12] =	ssyncset.done $0x0  }
0x49: {  	[sflag:s12] =	ssyncadd.s32 $0xFFFFD800  }
0x4a: {  	_ =	sfence.sel $0x180000  }
0x4b: {  	[bflag:$0x0] =	sbarrier.arrive $0xFFFF  }
0x4c: {  	p0 =	sne.s32 s1, $0x0;
	_ =	strace $0x9000004D  }
0x4d: {  	s0 =	sadd.s32 @!p0 $0x100000, s0;
	[bflag:$0x2] =	sbarrier.arrive $0xFFFF  }
0x4e: {  	[sflag:s0] =	ssyncadd.tile.s32 @!p0 $0x1;
	_ =	shalt  }
.Lfunc_end2:
_tile_overlayer_lowered:
.L_overlay_start_2:
0x4f: {  	(tag) =	ssettag $0x2  }
0x50: {  	s0 =	rddreg [dreg:$0x0];
	s2 =	stileid.u32  }
0x51: {  	s1 =	rddreg [dreg:$0x1];
	p0 =	sne.s32 s2, $0x0  }
0x52: {  	s3 =	rddreg [dreg:$0x2];
	[bflag:$0x3] =	sbarrier.arrive $0xFFFF;
	s2 =	simm.s32 @!p0 $0x1C02  }
0x53: {  	[timem:s3], [sflag:s2] =	dma.local @!p0 [hbm:s0], s1  }
0x54: {  	s0 =	simm.s32 @!p0 $0x2  }
0x55: {  	_ =	swait.ge @!p0 [sflag:s0], s1  }
0x56: {  	s1 =	ssub.s32 @!p0 $0x0, s1;
	[sflag:s0] =	ssyncset.done @!p0 $0x0  }
0x57: {  	[sflag:s0] =	ssyncadd.s32 @!p0 s1  }
0x58: {  	[bflag:$0x3] =	sbarrier.arrive $0xFFFF  }
0x59: {  	_ =	shalt  }

// kernel: kernel.22.cloned.1.call-start
scs
__scs_entry_jumppad:
0x0: {  	(pc) =	sbr.rel $0x88, $3  }
0x1: {  	(tag) =	ssettag $0x0;
	lr =	simm.s32 $0x1  }
0x2: {  	[smem:$0x3F94] =	sst lr;
	_ =	strace $0xD0000000  }
0x3: {  	_ = 	snop  }
0x4: {  	_ = 	snop  }
0x5: {  	_ = 	snop  }
0x6: {  	_ = 	snop  }
0x7: {  	_ = 	snop  }
__scs_overlays_trampoline_lowered:
0x8: {  	[smem:$0x3FA3] =	sst s0  }
0x9: {  	[smem:$0x3FA4] =	sst s1  }
0xa: {  	[smem:$0x3FA5] =	sst s2  }
0xb: {  	[smem:$0x3FA6] =	sst s3  }
0xc: {  	[smem:$0x3FA7] =	sst s4  }
0xd: {  	[smem:$0x3FA8] =	sst s5  }
0xe: {  	[smem:$0x3FA9] =	sst s6  }
0xf: {  	[smem:$0x3FAA] =	sst s7  }
0x10: {  	[smem:$0x3FAB] =	sst s8  }
0x11: {  	[smem:$0x3FAC] =	sst s9;
	s0 =	simm.s32 @!p0 $0x0  }
0x12: {  	s1 =	sld [smem:$0x3F92];
	s0 =	simm.s32 @p0 $0x1  }
0x13: {  	[smem:$0x3FAD] =	sst s0;
	s0 =	simm.s32 @!p1 $0x0  }
0x14: {  	s2 =	sld [smem:$0x3F91];
	s0 =	simm.s32 @p1 $0x1  }
0x15: {  	[smem:$0x3FAE] =	sst s0;
	s0 =	simm.s32 @!p2 $0x0  }
0x16: {  	s3 =	sld [smem:$0x3FDB];
	s0 =	simm.s32 @p2 $0x1  }
0x17: {  	s4 =	simm.s32 $0x1BF5;
	[smem:$0x3FB0] =	sst s0  }
0x18: {  	s0 =	sld [smem:$0x3F93];
	_ =	swait.ge [sflag:s4], $0x0  }
0x19: {  	s7 =	sld [smem:$0x3F94]  }
0x1a: {  	s8 =	sadd.s32 $0xFFFFE003, lr  }
0x1b: {  	s9 =	sadd.s32 $0xFFFFFEF7, lr;
	s5 =	simm.s32 $0xFFFFFFFF;
	p2 =	slt.u32 s8, $0xFFFFF086  }
0x1c: {  	p1 =	slt.u32 s9, $0xF7A;
	s5 =	simm.s32 @!p2 $0x0  }
0x1d: {  	s5 =	simm.s32 @p1 $0x1;
	p0 =	seq.s32 s7, s2  }
0x1e: {  	s7 =	smul.u32 @!p0 $0xF7A, s2;
	p2 =	seq.s32 @!p0 s5, $0x0  }
0x1f: {  	s9 =	smul.u32 $0xF7A, s1;
	s8 =	simm.s32 @!p0 $0x1BF5;
	p2 =	por !p2, p0  }
0x20: {  	[sflag:s8] =	ssyncset.s32 @!p0 $0xFFFFF086;
	s6 =	sadd.s32 @!p0 s3, s7;
	s7 =	simm.s32 @!p0 $0x108  }
0x21: {  	s3 =	sadd.s32 s3, s9;
	s6 =	sadd.s32 @!p0 $0x88, s6;
	s7 =	simm.s32 @p2 $0x1082  }
0x22: {  	[simem:s7], [sflag:s8] =	dma.local @!p0 [hbm:s6], $0xF7A  }
0x23: {  	s9 =	sor.u32 $0xD0000000, s2;
	s6 =	simm.s32 $0x108;
	_ =	swait.ge @!p0 [sflag:s8], $0x0  }
0x24: {  	s3 =	sadd.s32 $0x88, s3;
	s6 =	simm.s32 @!p1 $0x1082;
	[sflag:s4] =	ssyncset.s32 $0xFFFFF086  }
0x25: {  	[simem:s6], [sflag:s4] =	dma.local [hbm:s3], $0xF7A  }
0x26: {  	[smem:$0x3F94] =	sst s1;
	(tag) =	ssettag s2;
	_ =	strace s9  }
0x27: {  	s1 =	sld [smem:$0x3FA4]  }
0x28: {  	s2 =	sld [smem:$0x3FA5]  }
0x29: {  	s4 =	sld [smem:$0x3FA7]  }
0x2a: {  	p0 =	seq.s32 s5, $0x0;
	s5 =	sld [smem:$0x3FA8]  }
0x2b: {  	s6 =	sld [smem:$0x3FA9]  }
0x2c: {  	s7 =	sld [smem:$0x3FAA]  }
0x2d: {  	s3 =	simm.s32 $0x108;
	s8 =	sld [smem:$0x3FAB]  }
0x2e: {  	s3 =	simm.s32 @!p0 $0x1082;
	s9 =	sld [smem:$0x3FAC]  }
0x2f: {  	lr =	sadd.s32 s0, s3;
	s0 =	sld [smem:$0x3FA3]  }
0x30: {  	s3 =	sld [smem:$0x3FA6]  }
0x31: {  	[smem:$0x3FAF] =	sst s10  }
0x32: {  	s10 =	sld [smem:$0x3FAD];
	_ =	sdelay $0x3  }
0x33: {  	p0 =	seq.s32 s10, $0x1;
	s10 =	sld [smem:$0x3FAF];
	_ =	sdelay $0x3  }
0x34: {  	[smem:$0x3FAF] =	sst s10  }
0x35: {  	s10 =	sld [smem:$0x3FAE];
	_ =	sdelay $0x3  }
0x36: {  	p1 =	seq.s32 s10, $0x1;
	s10 =	sld [smem:$0x3FAF];
	_ =	sdelay $0x3  }
0x37: {  	[smem:$0x3FAF] =	sst s10  }
0x38: {  	s10 =	sld [smem:$0x3FB0]  }
0x39: {  	_ = 	snop;
	(pc) =	sbr.ind lr, $3  }
0x3a: {  	_ = 	snop  }
0x3b: {  	_ = 	snop  }
0x3c: {  	p2 =	seq.s32 s10, $0x1;
	s10 =	sld [smem:$0x3FAF]  }
0x3d: {  	_ =	shalt  }
0x3e: {  	_ =	shalt  }
0x3f: {  	_ =	shalt  }
0x40: {  	_ =	shalt  }
0x41: {  	_ =	shalt  }
0x42: {  	_ =	shalt  }
0x43: {  	_ =	shalt  }
0x44: {  	_ =	shalt  }
0x45: {  	_ =	shalt  }
0x46: {  	_ =	shalt  }
0x47: {  	_ =	shalt  }
0x48: {  	_ =	shalt  }
0x49: {  	_ =	shalt  }
0x4a: {  	_ =	shalt  }
0x4b: {  	_ =	shalt  }
0x4c: {  	_ =	shalt  }
0x4d: {  	_ =	shalt  }
0x4e: {  	_ =	shalt  }
0x4f: {  	_ =	shalt  }
0x50: {  	_ =	shalt  }
0x51: {  	_ =	shalt  }
0x52: {  	_ =	shalt  }
0x53: {  	_ =	shalt  }
0x54: {  	_ =	shalt  }
0x55: {  	_ =	shalt  }
0x56: {  	_ =	shalt  }
0x57: {  	_ =	shalt  }
0x58: {  	_ =	shalt  }
0x59: {  	_ =	shalt  }
0x5a: {  	_ =	shalt  }
0x5b: {  	_ =	shalt  }
0x5c: {  	_ =	shalt  }
0x5d: {  	_ =	shalt  }
0x5e: {  	_ =	shalt  }
0x5f: {  	_ =	shalt  }
0x60: {  	_ =	shalt  }
0x61: {  	_ =	shalt  }
0x62: {  	_ =	shalt  }
0x63: {  	_ =	shalt  }
0x64: {  	_ =	shalt  }
0x65: {  	_ =	shalt  }
0x66: {  	_ =	shalt  }
0x67: {  	_ =	shalt  }
0x68: {  	_ =	shalt  }
0x69: {  	_ =	shalt  }
0x6a: {  	_ =	shalt  }
0x6b: {  	_ =	shalt  }
0x6c: {  	_ =	shalt  }
0x6d: {  	_ =	shalt  }
0x6e: {  	_ =	shalt  }
0x6f: {  	_ =	shalt  }
0x70: {  	_ =	shalt  }
0x71: {  	_ =	shalt  }
0x72: {  	_ =	shalt  }
0x73: {  	_ =	shalt  }
0x74: {  	_ =	shalt  }
0x75: {  	_ =	shalt  }
0x76: {  	_ =	shalt  }
0x77: {  	_ =	shalt  }
0x78: {  	_ =	shalt  }
0x79: {  	_ =	shalt  }
0x7a: {  	_ =	shalt  }
0x7b: {  	_ =	shalt  }
0x7c: {  	_ =	shalt  }
0x7d: {  	_ =	shalt  }
0x7e: {  	_ =	shalt  }
0x7f: {  	_ =	shalt  }
0x80: {  	_ =	shalt  }
0x81: {  	_ =	shalt  }
0x82: {  	_ =	shalt  }
0x83: {  	_ =	shalt  }
0x84: {  	_ =	shalt  }
0x85: {  	_ =	shalt  }
0x86: {  	_ =	shalt  }
0x87: {  	_ =	shalt  }
.Lfunc_end0:
.L_simem_size_0:
called_computation.3_lowered:
.L_overlay_start_0:
0x88: {  	s2 =	sld [smem:$0x3FD9]  }
0x89: {  	s3 =	sld [smem:$0x3FFE];
	_ =	sdelay $0x1  }
0x8a: {  	s1 =	srdreg.scid  }
0x8b: {  	s0 =	sand.u32 $0x1, s1  }
0x8c: {  	s16 =	sshll.u32 s0, $0xA;
	s2 =	sadd.s32 s3, s2  }
0x8d: {  	s2 =	sadd.s32 s2, s16  }
0x8e: {  	[smem:$0x3FBB] =	sst s2  }
0x8f: {  	_ = 	snop  }
0x90: {  	(tm) =	ssettm $0x1  }
0x91: {  	s17 =	sld [smem:$0x3FFB];
	_ =	sdelay $0x3  }
0x92: {  	_ =	strace s17  }
0x93: {  	s2 =	sld [smem:$0x3FFC];
	_ =	sdelay $0x3  }
0x94: {  	_ =	strace s2  }
0x95: {  	s2 =	sld [smem:$0x3FFD];
	_ =	sdelay $0x3  }
0x96: {  	_ =	strace s2  }
0x97: {  	_ =	strace $0x8FFFFFFF  }
0x98: {  	s18 =	sld [smem:$0x3FDB];
	_ =	sdelay $0x1  }
0x99: {  	s19 =	simm.s32 $_scs_section_size  }
0x9a: {  	s4 =	simm.s32 $_size__tile_overlayer_lowered;
	s5 =	simm.s32 $_tile_overlayer_lowered  }
0x9b: {  	s22 =	simm.s32 $0x1BFF;
	s21 =	sshll.u32 s5, $0x1;
	s2 =	sadd.s32 s19, s18  }
0x9c: {  	s6 =	simm.s32 $0x0;
	s20 =	sshll.u32 s4, $0x1;
	s4 =	sadd.s32 s21, s2  }
0x9d: {  	[timem:s6], [sflag:s22] =	dma.local [hbm:s4], s20  }
0x9e: {  	_ =	swait.ge [sflag:s22], s20  }
0x9f: {  	s3 =	ssub.s32 $0x0, s20;
	[sflag:s22] =	ssyncset.done $0x0  }
0xa0: {  	[sflag:s22] =	ssyncadd.s32 s3;
	_ =	sdelay $0x1  }
0xa1: {  	s23 =	simm.s32 $0x1B8B  }
0xa2: {  	_ =	swait.ge [sflag:s23], $0x1  }
0xa3: {  	[sflag:s23] =	ssyncset.done $0x0  }
0xa4: {  	s25 =	simm.s32 $0x1B8E;
	s24 =	sld [smem:$0x3FFE];
	[sflag:s23] =	ssyncadd.s32 $0xFFFFFFFF  }
0xa5: {  	s26 =	simm.s32 $execute0_lowered;
	[smem:$0x3FD2] =	sst s25  }
0xa6: {  	s4 =	sshll.u32 s26, $0x1;
	_ =	strace $0x8000004F;
	[dreg:$0x1] =	wrdreg $0xFFFFFFFF  }
0xa7: {  	s28 =	simm.s32 $_size_execute0_lowered;
	s2 =	sadd.s32 s2, s4;
	[dreg:$0x0] =	wrdreg $0x0  }
0xa8: {  	s4 =	sshll.u32 s28, $0x1;
	[dreg:$0x2] =	wrdreg s2  }
0xa9: {  	[dreg:$0x3] =	wrdreg s4  }
0xaa: {  	[dreg:$0x4] =	wrdreg $0xC0  }
0xab: {  	_ =	task [dreg:s6], $0x5FFFF  }
0xac: {  	[dreg:$0x1] =	wrdreg $0xFFFFFFFF  }
0xad: {  	[dreg:$0x0] =	wrdreg $0x60  }
0xae: {  	[dreg:$0x2] =	wrdreg s24  }
0xaf: {  	[dreg:$0x3] =	wrdreg $0x41000  }
0xb0: {  	[dreg:$0x4] =	wrdreg $0x9  }
0xb1: {  	_ =	task.clear_ibuf [dreg:s6], $0x5FFFF;
	_ =	strace $0x9000004F  }
0xb2: {  	s29 =	simm.s32 $0x9;
	_ =	strace $0x80000051  }
0xb3: {  	_ =	swait.ge [sflag:s29], $0x1  }
0xb4: {  	[sflag:s29] =	ssyncadd.s32 $0xFFFFFFFF  }
0xb5: {  	_ =	strace $0x90000051  }
0xb6: {  	_ =	sfence  }
0xb7: {  	s30 =	sld [smem:$0x0];
	_ =	sdelay $0x2  }
0xb8: {  	s31 =	sshll.u32 s1, $0xD;
	s1 =	sshrl.u32 s1, $0x2  }
0xb9: {  	s3 =	sand.u32 $0x4000, s31;
	s1 =	sadd.s32 s1, s30  }
0xba: {  	s0 =	sor.u32 s3, s0;
	s1 =	sshll.u32 s1, $0x11  }
0xbb: {  	s0 =	sor.u32 s1, s0  }
0xbc: {  	s0 =	sadd.s32 $0x8F2B, s0  }
0xbd: {  	[sflag:s0] =	ssyncadd.remote.s32 $0x1  }
0xbe: {  	_ =	sfence.sel $0xFFFF  }
0xbf: {  	[dreg:$0x0] =	wrdreg $0xFFFFFFFF;
	(pc) =	sbr.abs _section_cstart, $3  }
0xc0: {  	[dreg:$0x1] =	wrdreg $0xFFFFFFFF  }
0xc1: {  	_ =	task.clear_ibuf [dreg:s6], $0x2FFFF;
	_ =	strace $0x9FFFFFFF  }
0xc2: {  	(tm) =	ssettm $0x7FFFFFFF  }
0xc3: {  	_ =	shalt  }
tec
execute0_lowered:
.L_overlay_start_1:
0x0: {  	(tag) =	ssettag $0x1  }
0x1: {  	s5 =	rddreg [dreg:$0x0]  }
0x2: {  	s2 =	rddreg [dreg:$0x1]  }
0x3: {  	s0 =	rddreg [dreg:$0x2];
	s1 =	stileid.u32  }
0x4: {  	s4 =	srdreg.scid;
	s3 =	simm.s32 $0x0;
	s7 =	smul.u32 $0x2800, s1  }
0x5: {  	s13 =	simm.s32 $0x80;
	s14 =	simm.s32 $0x100;
	s10 =	smul.u32 $0x50000, s1  }
0x6: {  	s15 =	simm.s32 $0x1;
	s6 =	sand.u32 $0x1, s4;
	s30 =	smul.u32 $0x4F0, s1  }
0x7: {  	s16 =	simm.s32 $0x0;
	[smem:$0x7FF] =	sst s3;
	s8 =	smul.u32 $0x28000, s6  }
0x8: {  	s4 =	sadd.s32 $0x19000, s5;
	s9 =	smul.u32 $0x4F00, s6;
	s6 =	ssub.s32 $0x2, s6  }
0x9: {  	s31 =	sshll.u32 s1, $0x6;
	_ =	strace $0x80000050;
	s28 =	sshrl.u32 s6, $0x1  }
0xa: {  	s29 =	sshrl.u32 s10, $0x2;
	s8 =	sadd.s32 s7, s8;
	s9 =	sadd.s32 s9, s5  }
0xb: {  	s11 =	ssub.s32 s6, s28;
	s12 =	sadd.s32 s29, s2;
	s6 =	sor.u32 $0x1C02, s31  }
0xc: {  	s8 =	sadd.s32 s8, s5;
	s5 =	sadd.s32 s4, s7;
	s10 =	sadd.s32 s30, s9  }
0xd: {  	s7 =	sadd.s32 $0x69000, s8;
	s8 =	smax.u32 s11, $0x1;
	s9 =	sadd.s32 $0x4C00, s10  }
0xe: {  	s10 =	sadd.s32 $0xF200, s10;
	s11 =	sshrl.u32 s12, $0x3;
	s12 =	simm.s32 $0x2  }
.LBB2_1:
0xf: {  	[spmem:s11], [sflag:s6] =	dma.local [hbm:s5], $0x2800  }
0x10: {  	_ =	swait.ge [sflag:s12], $0x2800  }
0x11: {  	[sflag:s12] =	ssyncset.done $0x0  }
0x12: {  	[sflag:s12] =	ssyncadd.s32 $0xFFFFD800  }
0x13: {  	s17 =	sadd.s32 $0x0, s10;
	[bflag:$0x0] =	sbarrier.arrive $0xFFFF  }
0x14: {  	[tilespmem:s3], [sflag:$0x2] =	stream.linear.gather [hbm4b:s17+s3], $0x80, $0x38;
	[tilespmem:$0x18100] =	vst v63  }
0x15: {  	_ =	swait.ge [sflag:s12], $0x80  }
0x16: {  	[sflag:s12] =	ssyncset.done $0x0  }
0x17: {  	s31 =	sadd.s32 $0x0, s9;
	[sflag:s12] =	ssyncadd.s32 $0xFFFFFF80  }
0x18: {  	[tilespmem:s13], [sflag:$0x2] =	stream.linear.gather [hbm4b:s31+s3], $0x80, $0x38;
	[tilespmem:$0x18100] =	vst v63  }
0x19: {  	_ =	swait.ge [sflag:s12], $0x80  }
0x1a: {  	[sflag:s12] =	ssyncset.done $0x0  }
0x1b: {  	[sflag:s12] =	ssyncadd.s32 $0xFFFFFF80  }
0x1c: {  	[tilespmem:s14], [sflag:$0x1] =	stream.indirect.gather [hbm4b:s4+s13], $0x80, s3, s13, $0xb8;
	[tilespmem:$0x18100] =	vst v63  }
0x1d: {  	_ =	swait.ge [sflag:s15], $0x4000  }
0x1e: {  	[sflag:s15] =	ssyncset.done $0x0  }
0x1f: {  	[sflag:s15] =	ssyncadd.s32 $0xFFFFC000  }
0x20: {  	[spmem:s2] =	stream.indirect.scatter.add.f32 [tilespmem:s14], [sflag:$0x2], $0x80, s13, s13, $0xb8;
	[tilespmem:$0x18100] =	vst v63  }
0x21: {  	_ =	swait.ge [sflag:s12], $0x4000  }
0x22: {  	s18 =	simm.s32 $0x20;
	s17 =	simm.s32 $0x10;
	[sflag:s12] =	ssyncset.done $0x0  }
.LBB2_2:
0x23: {  	s19 =	sadd.s32 s17, s10  }
0x24: {  	[sflag:s12] =	ssyncadd.s32 $0xFFFFC000;
	s20 =	smov.u32 s18;
	s21 =	sadd.s32 $0x10, s18  }
0x25: {  	[tilespmem:s3], [sflag:$0x2] =	stream.linear.gather [hbm4b:s19+s3], $0x80, $0x38;
	[tilespmem:$0x18100] =	vst v63  }
0x26: {  	p0 =	sne.s32 s18, $0x4E0;
	_ =	swait.ge [sflag:s12], $0x80  }
0x27: {  	[sflag:s12] =	ssyncset.done $0x0  }
0x28: {  	s18 =	sadd.s32 s17, s9;
	s17 =	smov.u32 s20;
	[sflag:s12] =	ssyncadd.s32 $0xFFFFFF80  }
0x29: {  	[tilespmem:s13], [sflag:$0x2] =	stream.linear.gather [hbm4b:s18+s3], $0x80, $0x38;
	[tilespmem:$0x18100] =	vst v63  }
0x2a: {  	_ =	swait.ge [sflag:s12], $0x80  }
0x2b: {  	[sflag:s12] =	ssyncset.done $0x0  }
0x2c: {  	[sflag:s12] =	ssyncadd.s32 $0xFFFFFF80  }
0x2d: {  	[tilespmem:s14], [sflag:$0x1] =	stream.indirect.gather [hbm4b:s4+s13], $0x80, s3, s13, $0xb8;
	[tilespmem:$0x18100] =	vst v63  }
0x2e: {  	_ =	swait.ge [sflag:s15], $0x4000  }
.Ltmp0:
0x2f: {  	[sflag:s15] =	ssyncset.done $0x0;
	(pc) =	sbr.rel @p0 .LBB2_2-.Ltmp0, $4  }
0x30: {  	[sflag:s15] =	ssyncadd.s32 $0xFFFFC000  }
0x31: {  	[spmem:s2] =	stream.indirect.scatter.add.f32 [tilespmem:s14], [sflag:$0x2], $0x80, s13, s13, $0xb8;
	[tilespmem:$0x18100] =	vst v63  }
0x32: {  	_ =	swait.ge [sflag:s12], $0x4000  }
0x33: {  	s18 =	smov.u32 s21;
	[sflag:s12] =	ssyncset.done $0x0  }
0x34: {  	s18 =	sadd.s32 s17, s10;
	[sflag:s12] =	ssyncadd.s32 $0xFFFFC000  }
0x35: {  	[tilespmem:s3], [sflag:$0x2] =	stream.linear.gather [hbm4b:s18+s3], $0x80, $0x38;
	[tilespmem:$0x18100] =	vst v63  }
0x36: {  	_ =	swait.ge [sflag:s12], $0x80  }
0x37: {  	[sflag:s12] =	ssyncset.done $0x0  }
0x38: {  	s31 =	sadd.s32 s17, s9;
	[sflag:s12] =	ssyncadd.s32 $0xFFFFFF80  }
0x39: {  	[tilespmem:s13], [sflag:$0x2] =	stream.linear.gather [hbm4b:s31+s3], $0x80, $0x38;
	[tilespmem:$0x18100] =	vst v63  }
0x3a: {  	_ =	swait.ge [sflag:s12], $0x80  }
0x3b: {  	[sflag:s12] =	ssyncset.done $0x0  }
0x3c: {  	[sflag:s12] =	ssyncadd.s32 $0xFFFFFF80  }
0x3d: {  	[tilespmem:s14], [sflag:$0x1] =	stream.indirect.gather [hbm4b:s4+s13], $0x80, s3, s13, $0xb8;
	[tilespmem:$0x18100] =	vst v63  }
0x3e: {  	_ =	swait.ge [sflag:s15], $0x4000  }
0x3f: {  	[sflag:s15] =	ssyncset.done $0x0  }
0x40: {  	[sflag:s15] =	ssyncadd.s32 $0xFFFFC000  }
0x41: {  	[spmem:s2] =	stream.indirect.scatter.add.f32 [tilespmem:s14], [sflag:$0x2], $0x80, s13, s13, $0xb8;
	[tilespmem:$0x18100] =	vst v63  }
0x42: {  	_ =	swait.ge [sflag:s12], $0x4000  }
0x43: {  	s16 =	sadd.s32 $0x1, s16;
	[sflag:s12] =	ssyncset.done $0x0  }
0x44: {  	p0 =	sne.s32 s16, s8;
	[sflag:s12] =	ssyncadd.s32 $0xFFFFC000  }
.Ltmp1:
0x45: {  	[bflag:$0x0] =	sbarrier.arrive $0xFFFF;
	(pc) =	sbr.rel @p0 .LBB2_1-.Ltmp1, $4  }
0x46: {  	[hbm:s7], [sflag:s6] =	dma.local [spmem:s11], $0x2800  }
0x47: {  	_ =	swait.ge [sflag:s12], $0x2800  }
0x48: {  	[sflag:s12] =	ssyncset.done $0x0  }
0x49: {  	[sflag:s12] =	ssyncadd.s32 $0xFFFFD800  }
0x4a: {  	_ =	sfence.sel $0x180000  }
0x4b: {  	[bflag:$0x0] =	sbarrier.arrive $0xFFFF  }
0x4c: {  	p0 =	sne.s32 s1, $0x0;
	_ =	strace $0x90000050  }
0x4d: {  	s0 =	sadd.s32 @!p0 $0x100000, s0;
	[bflag:$0x2] =	sbarrier.arrive $0xFFFF  }
0x4e: {  	[sflag:s0] =	ssyncadd.tile.s32 @!p0 $0x1;
	_ =	shalt  }
.Lfunc_end2:
_tile_overlayer_lowered:
.L_overlay_start_2:
0x4f: {  	(tag) =	ssettag $0x2  }
0x50: {  	s0 =	rddreg [dreg:$0x0];
	s2 =	stileid.u32  }
0x51: {  	s1 =	rddreg [dreg:$0x1];
	p0 =	sne.s32 s2, $0x0  }
0x52: {  	s3 =	rddreg [dreg:$0x2];
	[bflag:$0x3] =	sbarrier.arrive $0xFFFF;
	s2 =	simm.s32 @!p0 $0x1C02  }
0x53: {  	[timem:s3], [sflag:s2] =	dma.local @!p0 [hbm:s0], s1  }
0x54: {  	s0 =	simm.s32 @!p0 $0x2  }
0x55: {  	_ =	swait.ge @!p0 [sflag:s0], s1  }
0x56: {  	s1 =	ssub.s32 @!p0 $0x0, s1;
	[sflag:s0] =	ssyncset.done @!p0 $0x0  }
0x57: {  	[sflag:s0] =	ssyncadd.s32 @!p0 s1  }
0x58: {  	[bflag:$0x3] =	sbarrier.arrive $0xFFFF  }
0x59: {  	_ =	shalt  }

// kernel: kernel.25.cloned.1.call-start
scs
__scs_entry_jumppad:
0x0: {  	(pc) =	sbr.rel $0x88, $3  }
0x1: {  	(tag) =	ssettag $0x0;
	lr =	simm.s32 $0x1  }
0x2: {  	[smem:$0x3F94] =	sst lr;
	_ =	strace $0xD0000000  }
0x3: {  	_ = 	snop  }
0x4: {  	_ = 	snop  }
0x5: {  	_ = 	snop  }
0x6: {  	_ = 	snop  }
0x7: {  	_ = 	snop  }
__scs_overlays_trampoline_lowered:
0x8: {  	[smem:$0x3FA3] =	sst s0  }
0x9: {  	[smem:$0x3FA4] =	sst s1  }
0xa: {  	[smem:$0x3FA5] =	sst s2  }
0xb: {  	[smem:$0x3FA6] =	sst s3  }
0xc: {  	[smem:$0x3FA7] =	sst s4  }
0xd: {  	[smem:$0x3FA8] =	sst s5  }
0xe: {  	[smem:$0x3FA9] =	sst s6  }
0xf: {  	[smem:$0x3FAA] =	sst s7  }
0x10: {  	[smem:$0x3FAB] =	sst s8  }
0x11: {  	[smem:$0x3FAC] =	sst s9;
	s0 =	simm.s32 @!p0 $0x0  }
0x12: {  	s1 =	sld [smem:$0x3F92];
	s0 =	simm.s32 @p0 $0x1  }
0x13: {  	[smem:$0x3FAD] =	sst s0;
	s0 =	simm.s32 @!p1 $0x0  }
0x14: {  	s2 =	sld [smem:$0x3F91];
	s0 =	simm.s32 @p1 $0x1  }
0x15: {  	[smem:$0x3FAE] =	sst s0;
	s0 =	simm.s32 @!p2 $0x0  }
0x16: {  	s3 =	sld [smem:$0x3FDB];
	s0 =	simm.s32 @p2 $0x1  }
0x17: {  	s4 =	simm.s32 $0x1BF5;
	[smem:$0x3FB0] =	sst s0  }
0x18: {  	s0 =	sld [smem:$0x3F93];
	_ =	swait.ge [sflag:s4], $0x0  }
0x19: {  	s7 =	sld [smem:$0x3F94]  }
0x1a: {  	s8 =	sadd.s32 $0xFFFFE003, lr  }
0x1b: {  	s9 =	sadd.s32 $0xFFFFFEF7, lr;
	s5 =	simm.s32 $0xFFFFFFFF;
	p2 =	slt.u32 s8, $0xFFFFF086  }
0x1c: {  	p1 =	slt.u32 s9, $0xF7A;
	s5 =	simm.s32 @!p2 $0x0  }
0x1d: {  	s5 =	simm.s32 @p1 $0x1;
	p0 =	seq.s32 s7, s2  }
0x1e: {  	s7 =	smul.u32 @!p0 $0xF7A, s2;
	p2 =	seq.s32 @!p0 s5, $0x0  }
0x1f: {  	s9 =	smul.u32 $0xF7A, s1;
	s8 =	simm.s32 @!p0 $0x1BF5;
	p2 =	por !p2, p0  }
0x20: {  	[sflag:s8] =	ssyncset.s32 @!p0 $0xFFFFF086;
	s6 =	sadd.s32 @!p0 s3, s7;
	s7 =	simm.s32 @!p0 $0x108  }
0x21: {  	s3 =	sadd.s32 s3, s9;
	s6 =	sadd.s32 @!p0 $0x88, s6;
	s7 =	simm.s32 @p2 $0x1082  }
0x22: {  	[simem:s7], [sflag:s8] =	dma.local @!p0 [hbm:s6], $0xF7A  }
0x23: {  	s9 =	sor.u32 $0xD0000000, s2;
	s6 =	simm.s32 $0x108;
	_ =	swait.ge @!p0 [sflag:s8], $0x0  }
0x24: {  	s3 =	sadd.s32 $0x88, s3;
	s6 =	simm.s32 @!p1 $0x1082;
	[sflag:s4] =	ssyncset.s32 $0xFFFFF086  }
0x25: {  	[simem:s6], [sflag:s4] =	dma.local [hbm:s3], $0xF7A  }
0x26: {  	[smem:$0x3F94] =	sst s1;
	(tag) =	ssettag s2;
	_ =	strace s9  }
0x27: {  	s1 =	sld [smem:$0x3FA4]  }
0x28: {  	s2 =	sld [smem:$0x3FA5]  }
0x29: {  	s4 =	sld [smem:$0x3FA7]  }
0x2a: {  	p0 =	seq.s32 s5, $0x0;
	s5 =	sld [smem:$0x3FA8]  }
0x2b: {  	s6 =	sld [smem:$0x3FA9]  }
0x2c: {  	s7 =	sld [smem:$0x3FAA]  }
0x2d: {  	s3 =	simm.s32 $0x108;
	s8 =	sld [smem:$0x3FAB]  }
0x2e: {  	s3 =	simm.s32 @!p0 $0x1082;
	s9 =	sld [smem:$0x3FAC]  }
0x2f: {  	lr =	sadd.s32 s0, s3;
	s0 =	sld [smem:$0x3FA3]  }
0x30: {  	s3 =	sld [smem:$0x3FA6]  }
0x31: {  	[smem:$0x3FAF] =	sst s10  }
0x32: {  	s10 =	sld [smem:$0x3FAD];
	_ =	sdelay $0x3  }
0x33: {  	p0 =	seq.s32 s10, $0x1;
	s10 =	sld [smem:$0x3FAF];
	_ =	sdelay $0x3  }
0x34: {  	[smem:$0x3FAF] =	sst s10  }
0x35: {  	s10 =	sld [smem:$0x3FAE];
	_ =	sdelay $0x3  }
0x36: {  	p1 =	seq.s32 s10, $0x1;
	s10 =	sld [smem:$0x3FAF];
	_ =	sdelay $0x3  }
0x37: {  	[smem:$0x3FAF] =	sst s10  }
0x38: {  	s10 =	sld [smem:$0x3FB0]  }
0x39: {  	_ = 	snop;
	(pc) =	sbr.ind lr, $3  }
0x3a: {  	_ = 	snop  }
0x3b: {  	_ = 	snop  }
0x3c: {  	p2 =	seq.s32 s10, $0x1;
	s10 =	sld [smem:$0x3FAF]  }
0x3d: {  	_ =	shalt  }
0x3e: {  	_ =	shalt  }
0x3f: {  	_ =	shalt  }
0x40: {  	_ =	shalt  }
0x41: {  	_ =	shalt  }
0x42: {  	_ =	shalt  }
0x43: {  	_ =	shalt  }
0x44: {  	_ =	shalt  }
0x45: {  	_ =	shalt  }
0x46: {  	_ =	shalt  }
0x47: {  	_ =	shalt  }
0x48: {  	_ =	shalt  }
0x49: {  	_ =	shalt  }
0x4a: {  	_ =	shalt  }
0x4b: {  	_ =	shalt  }
0x4c: {  	_ =	shalt  }
0x4d: {  	_ =	shalt  }
0x4e: {  	_ =	shalt  }
0x4f: {  	_ =	shalt  }
0x50: {  	_ =	shalt  }
0x51: {  	_ =	shalt  }
0x52: {  	_ =	shalt  }
0x53: {  	_ =	shalt  }
0x54: {  	_ =	shalt  }
0x55: {  	_ =	shalt  }
0x56: {  	_ =	shalt  }
0x57: {  	_ =	shalt  }
0x58: {  	_ =	shalt  }
0x59: {  	_ =	shalt  }
0x5a: {  	_ =	shalt  }
0x5b: {  	_ =	shalt  }
0x5c: {  	_ =	shalt  }
0x5d: {  	_ =	shalt  }
0x5e: {  	_ =	shalt  }
0x5f: {  	_ =	shalt  }
0x60: {  	_ =	shalt  }
0x61: {  	_ =	shalt  }
0x62: {  	_ =	shalt  }
0x63: {  	_ =	shalt  }
0x64: {  	_ =	shalt  }
0x65: {  	_ =	shalt  }
0x66: {  	_ =	shalt  }
0x67: {  	_ =	shalt  }
0x68: {  	_ =	shalt  }
0x69: {  	_ =	shalt  }
0x6a: {  	_ =	shalt  }
0x6b: {  	_ =	shalt  }
0x6c: {  	_ =	shalt  }
0x6d: {  	_ =	shalt  }
0x6e: {  	_ =	shalt  }
0x6f: {  	_ =	shalt  }
0x70: {  	_ =	shalt  }
0x71: {  	_ =	shalt  }
0x72: {  	_ =	shalt  }
0x73: {  	_ =	shalt  }
0x74: {  	_ =	shalt  }
0x75: {  	_ =	shalt  }
0x76: {  	_ =	shalt  }
0x77: {  	_ =	shalt  }
0x78: {  	_ =	shalt  }
0x79: {  	_ =	shalt  }
0x7a: {  	_ =	shalt  }
0x7b: {  	_ =	shalt  }
0x7c: {  	_ =	shalt  }
0x7d: {  	_ =	shalt  }
0x7e: {  	_ =	shalt  }
0x7f: {  	_ =	shalt  }
0x80: {  	_ =	shalt  }
0x81: {  	_ =	shalt  }
0x82: {  	_ =	shalt  }
0x83: {  	_ =	shalt  }
0x84: {  	_ =	shalt  }
0x85: {  	_ =	shalt  }
0x86: {  	_ =	shalt  }
0x87: {  	_ =	shalt  }
.Lfunc_end0:
.L_simem_size_0:
called_computation.4_lowered:
.L_overlay_start_0:
0x88: {  	s2 =	sld [smem:$0x3FD9]  }
0x89: {  	s3 =	sld [smem:$0x3FFE];
	_ =	sdelay $0x1  }
0x8a: {  	s1 =	srdreg.scid  }
0x8b: {  	s0 =	sand.u32 $0x1, s1  }
0x8c: {  	s17 =	sshll.u32 s0, $0xA;
	s2 =	sadd.s32 s3, s2  }
0x8d: {  	s2 =	sadd.s32 s2, s17  }
0x8e: {  	[smem:$0x3FBB] =	sst s2  }
0x8f: {  	_ = 	snop  }
0x90: {  	s2 =	sld [smem:$0x3FBE];
	(tm) =	ssettm $0x1  }
0x91: {  	s18 =	sld [smem:$0x3FFB];
	_ =	sdelay $0x3  }
0x92: {  	_ =	strace s18  }
0x93: {  	s3 =	sld [smem:$0x3FFC];
	_ =	sdelay $0x3  }
0x94: {  	_ =	strace s3  }
0x95: {  	s3 =	sld [smem:$0x3FFD];
	_ =	sdelay $0x3  }
0x96: {  	_ =	strace s3  }
0x97: {  	_ =	strace $0x8FFFFFFF  }
0x98: {  	s19 =	sld [smem:$0x3FDB];
	_ =	sdelay $0x1  }
0x99: {  	s4 =	simm.s32 $_scs_section_size  }
0x9a: {  	s5 =	simm.s32 $_size__tile_overlayer_lowered;
	s6 =	simm.s32 $_tile_overlayer_lowered  }
0x9b: {  	s22 =	simm.s32 $0x1BFF;
	s21 =	sshll.u32 s6, $0x1;
	s3 =	sadd.s32 s4, s19  }
0x9c: {  	s7 =	simm.s32 $0x0;
	s20 =	sshll.u32 s5, $0x1;
	s5 =	sadd.s32 s21, s3  }
0x9d: {  	[timem:s7], [sflag:s22] =	dma.local [hbm:s5], s20  }
0x9e: {  	_ =	swait.ge [sflag:s22], s20  }
0x9f: {  	s4 =	ssub.s32 $0x0, s20;
	[sflag:s22] =	ssyncset.done $0x0  }
0xa0: {  	[sflag:s22] =	ssyncadd.s32 s4;
	_ =	sdelay $0x1  }
0xa1: {  	s23 =	simm.s32 $0x1B8B  }
0xa2: {  	_ =	swait.ge [sflag:s23], $0x1  }
0xa3: {  	[sflag:s23] =	ssyncset.done $0x0  }
0xa4: {  	s25 =	simm.s32 $0x1B8E;
	s24 =	sld [smem:$0x3FFE];
	[sflag:s23] =	ssyncadd.s32 $0xFFFFFFFF  }
0xa5: {  	s26 =	simm.s32 $execute0_lowered;
	[smem:$0x3FD2] =	sst s25  }
0xa6: {  	s5 =	sshll.u32 s26, $0x1;
	_ =	strace $0x80000052;
	[dreg:$0x1] =	wrdreg $0xFFFFFFFF  }
0xa7: {  	s28 =	simm.s32 $_size_execute0_lowered;
	s3 =	sadd.s32 s3, s5;
	[dreg:$0x0] =	wrdreg $0x0  }
0xa8: {  	s5 =	sshll.u32 s28, $0x1;
	[dreg:$0x2] =	wrdreg s3  }
0xa9: {  	[dreg:$0x3] =	wrdreg s5  }
0xaa: {  	[dreg:$0x4] =	wrdreg $0xC0  }
0xab: {  	_ =	task [dreg:s7], $0x5FFFF  }
0xac: {  	[dreg:$0x1] =	wrdreg $0xFFFFFFFF  }
0xad: {  	[dreg:$0x0] =	wrdreg $0x60  }
0xae: {  	[dreg:$0x2] =	wrdreg s24  }
0xaf: {  	[dreg:$0x3] =	wrdreg s2  }
0xb0: {  	[dreg:$0x4] =	wrdreg $0x9  }
0xb1: {  	_ =	task.clear_ibuf [dreg:s7], $0x5FFFF;
	_ =	strace $0x90000052  }
0xb2: {  	s29 =	simm.s32 $0x9;
	_ =	strace $0x80000054  }
0xb3: {  	_ =	swait.ge [sflag:s29], $0x1  }
0xb4: {  	[sflag:s29] =	ssyncadd.s32 $0xFFFFFFFF  }
0xb5: {  	_ =	strace $0x90000054  }
0xb6: {  	_ =	sfence  }
0xb7: {  	s30 =	sld [smem:$0x0];
	_ =	sdelay $0x2  }
0xb8: {  	s31 =	sshll.u32 s1, $0xD;
	s1 =	sshrl.u32 s1, $0x2  }
0xb9: {  	s3 =	sand.u32 $0x4000, s31;
	s1 =	sadd.s32 s1, s30  }
0xba: {  	s0 =	sor.u32 s3, s0;
	s1 =	sshll.u32 s1, $0x11  }
0xbb: {  	s0 =	sor.u32 s1, s0  }
0xbc: {  	s0 =	sadd.s32 $0x8F2B, s0  }
0xbd: {  	[sflag:s0] =	ssyncadd.remote.s32 $0x1  }
0xbe: {  	_ =	sfence.sel $0xFFFF  }
0xbf: {  	[dreg:$0x0] =	wrdreg $0xFFFFFFFF;
	(pc) =	sbr.abs _section_cstart, $3  }
0xc0: {  	[dreg:$0x1] =	wrdreg $0xFFFFFFFF  }
0xc1: {  	_ =	task.clear_ibuf [dreg:s7], $0x2FFFF;
	_ =	strace $0x9FFFFFFF  }
0xc2: {  	(tm) =	ssettm $0x7FFFFFFF  }
0xc3: {  	_ =	shalt  }
tec
execute0_lowered:
.L_overlay_start_1:
0x0: {  	(tag) =	ssettag $0x1  }
0x1: {  	s9 =	rddreg [dreg:$0x0]  }
0x2: {  	s1 =	rddreg [dreg:$0x1]  }
0x3: {  	s0 =	rddreg [dreg:$0x2];
	s2 =	simm.s32 $0x0  }
0x4: {  	s5 =	srdreg.scid;
	s13 =	simm.s32 $0x2;
	s14 =	simm.s32 $0x80  }
0x5: {  	s15 =	simm.s32 $0x100;
	s16 =	simm.s32 $0x1;
	s17 =	simm.s32 $0x4100  }
0x6: {  	s18 =	simm.s32 $0x8100;
	s19 =	simm.s32 $0xC180;
	s20 =	simm.s32 $0x0  }
0x7: {  	[smem:$0x7FF] =	sst s2;
	s3 =	sadd.s32 $0x19000, s9;
	s4 =	sadd.s32 $0x41000, s9  }
0x8: {  	s8 =	sand.u32 $0x1, s5;
	s6 =	sadd.s32 $0xA8B000, s9;
	s7 =	sadd.s32 $0xF200, s9  }
0x9: {  	s5 =	stileid.u32;
	_ =	strace $0x80000053;
	s10 =	ssub.s32 $0x2, s8  }
0xa: {  	s12 =	sshll.u32 s8, $0x4;
	s8 =	sadd.s32 $0x4C00, s9;
	s11 =	sshrl.u32 s10, $0x1  }
0xb: {  	s9 =	sadd.s32 $0x69000, s9;
	s31 =	sor.u32 s5, s12;
	s11 =	ssub.s32 s10, s11  }
0xc: {  	s12 =	simm.s32 $0xC100;
	s10 =	smul.u32 $0x2780, s31;
	s11 =	smax.u32 s11, $0x1  }
.LBB2_1:
0xd: {  	[tilespmem:s12], [sflag:$0x2] =	stream.linear.gather [hbm4b:s1+s2], $0x80, $0x38;
	[tilespmem:$0x10180] =	vst v63  }
0xe: {  	_ =	swait.ge [sflag:s13], $0x80  }
0xf: {  	[sflag:s13] =	ssyncset.done $0x0  }
0x10: {  	s21 =	simm.s32 $0x0;
	[sflag:s13] =	ssyncadd.s32 $0xFFFFFF80  }
.LBB2_2:
0x11: {  	s22 =	sshll.u32 s21, $0x7  }
0x12: {  	s22 =	sadd.s32 s10, s22  }
0x13: {  	s23 =	sshrl.u32 s22, $0x3  }
0x14: {  	s25 =	simm.s32 $0x0;
	s24 =	sadd.s32 s7, s23  }
0x15: {  	[tilespmem:s25], [sflag:$0x2] =	stream.linear.gather [hbm4b:s24+s25], $0x80, $0x38;
	[tilespmem:$0x10180] =	vst v63  }
0x16: {  	_ =	swait.ge [sflag:s13], $0x80  }
0x17: {  	[sflag:s13] =	ssyncset.done $0x0  }
0x18: {  	s23 =	sadd.s32 s8, s23;
	[sflag:s13] =	ssyncadd.s32 $0xFFFFFF80  }
0x19: {  	[tilespmem:s14], [sflag:$0x2] =	stream.linear.gather [hbm4b:s23+s25], $0x80, $0x38;
	[tilespmem:$0x10180] =	vst v63  }
0x1a: {  	_ =	swait.ge [sflag:s13], $0x80  }
0x1b: {  	[sflag:s13] =	ssyncset.done $0x0  }
0x1c: {  	[sflag:s13] =	ssyncadd.s32 $0xFFFFFF80  }
0x1d: {  	[tilespmem:s15], [sflag:$0x1] =	stream.indirect.gather [hbm4b:s3+s14], $0x80, s25, s14, $0xb8;
	[tilespmem:$0x10180] =	vst v63  }
0x1e: {  	_ =	swait.ge [sflag:s16], $0x4000  }
0x1f: {  	[sflag:s16] =	ssyncset.done $0x0  }
0x20: {  	[sflag:s16] =	ssyncadd.s32 $0xFFFFC000  }
0x21: {  	[tilespmem:s17], [sflag:$0x1] =	stream.indirect.gather [hbm4b:s4+s14], $0x80, s14, s14, $0xb8;
	[tilespmem:$0x10180] =	vst v63  }
0x22: {  	_ =	swait.ge [sflag:s16], $0x4000  }
0x23: {  	s22 =	sshll.u32 s22, $0x4;
	[sflag:s16] =	ssyncset.done $0x0  }
0x24: {  	s31 =	sadd.s32 s6, s22;
	[sflag:s16] =	ssyncadd.s32 $0xFFFFC000  }
0x25: {  	[tilespmem:s18], [sflag:$0x2] =	stream.linear.gather [hbm4b:s31+s25], $0x4000, $0x38;
	[tilespmem:$0x10180] =	vst v63  }
0x26: {  	_ =	swait.ge [sflag:s13], $0x4000  }
0x27: {  	[sflag:s13] =	ssyncset.done $0x0  }
0x28: {  	s23 =	simm.s32 $0x0;
	[sflag:s13] =	ssyncadd.s32 $0xFFFFC000  }
0x29: {  	v1 =	vld [tilespmem:s23+$0x8160]  }
0x2a: {  	v0 =	vld [tilespmem:s23+$0x170]  }
0x2b: {  	v2 =	vld [tilespmem:s23+$0x8150]  }
0x2c: {  	v3 =	vld [tilespmem:s23+$0x160]  }
0x2d: {  	v4 =	vld [tilespmem:s23+$0x8140]  }
0x2e: {  	v5 =	vld [tilespmem:s23+$0x150]  }
0x2f: {  	v6 =	vld [tilespmem:s23+$0x8130]  }
0x30: {  	v7 =	vld [tilespmem:s23+$0x140]  }
0x31: {  	v8 =	vld [tilespmem:s23+$0x8120]  }
0x32: {  	v9 =	vld [tilespmem:s23+$0x130]  }
0x33: {  	v10 =	vld [tilespmem:s23+$0x8110]  }
0x34: {  	v11 =	vld [tilespmem:s23+$0x8100]  }
0x35: {  	s24 =	simm.s32 $0x200;
	v12 =	vld [tilespmem:s23+$0x100]  }
.LBB2_3:
0x36: {  	p0 =	sne.s32 s24, $0xFE00;
	v13 =	vld [tilespmem:s23+$0x4100]  }
0x37: {  	v14 =	vld [tilespmem:s23+$0x110]  }
0x38: {  	v15 =	vld [tilespmem:s23+$0x4110]  }
0x39: {  	v16 =	vld [tilespmem:s23+$0x120]  }
0x3a: {  	v17 =	vld [tilespmem:s23+$0x4120]  }
0x3b: {  	v12 =	vadd.f32 v13, v12;
	v13 =	vld [tilespmem:$0xC100]  }
0x3c: {  	v18 =	vld [tilespmem:s23+$0x4130]  }
0x3d: {  	v11 =	vadd.f32 v11, v12;
	v12 =	vadd.f32 v15, v14;
	v14 =	vld [tilespmem:$0xC110]  }
0x3e: {  	v15 =	vld [tilespmem:s23+$0x4140]  }
0x3f: {  	v11 =	vmax.f32 v11, $0.0e+00;
	v10 =	vadd.f32 v10, v12;
	v12 =	vadd.f32 v17, v16;
	v16 =	vld [tilespmem:$0xC120]  }
0x40: {  	v11 =	vmul.f32 v11, v13;
	v13 =	vld [tilespmem:s23+$0x4150]  }
0x41: {  	v10 =	vmax.f32 v10, $0.0e+00;
	v8 =	vadd.f32 v8, v12;
	v9 =	vadd.f32 v18, v9;
	v12 =	vld [tilespmem:$0xC130]  }
0x42: {  	v11 =	vadd.f32 $0.0e+00, v11;
	v10 =	vmul.f32 v10, v14;
	v14 =	vld [tilespmem:s23+$0x4160]  }
0x43: {  	v8 =	vmax.f32 v8, $0.0e+00;
	v6 =	vadd.f32 v6, v9;
	v7 =	vadd.f32 v15, v7;
	v9 =	vld [tilespmem:$0xC140]  }
0x44: {  	v10 =	vadd.f32 v10, v11;
	v8 =	vmul.f32 v8, v16;
	v11 =	vld [tilespmem:s23+$0x4170]  }
0x45: {  	v6 =	vmax.f32 v6, $0.0e+00;
	v4 =	vadd.f32 v4, v7;
	v5 =	vadd.f32 v13, v5;
	v7 =	vld [tilespmem:$0xC150]  }
0x46: {  	v8 =	vadd.f32 v8, v10;
	v6 =	vmul.f32 v6, v12;
	v10 =	vld [tilespmem:s23+$0x8170]  }
0x47: {  	s25 =	sshra.s32 s24, $0x2;
	v4 =	vmax.f32 v4, $0.0e+00;
	v2 =	vadd.f32 v2, v5;
	v3 =	vadd.f32 v14, v3;
	v5 =	vld [tilespmem:$0xC160]  }
0x48: {  	v12 =	vld [tilespmem:s25+$0x8160];
	v6 =	vadd.f32 v6, v8;
	v4 =	vmul.f32 v4, v9  }
0x49: {  	v2 =	vmax.f32 v2, $0.0e+00;
	v1 =	vadd.f32 v1, v3;
	v3 =	vadd.f32 v11, v0;
	v8 =	vld [tilespmem:$0xC170]  }
0x4a: {  	v0 =	vld [tilespmem:s25+$0x170];
	v4 =	vadd.f32 v4, v6;
	v6 =	vmul.f32 v2, v7  }
0x4b: {  	v2 =	vld [tilespmem:s25+$0x8150];
	v11 =	vmax.f32 v1, $0.0e+00;
	v7 =	vadd.f32 v10, v3  }
0x4c: {  	v3 =	vld [tilespmem:s25+$0x160];
	v6 =	vadd.f32 v6, v4;
	v9 =	vmul.f32 v11, v5  }
0x4d: {  	v4 =	vld [tilespmem:s25+$0x8140];
	v7 =	vmax.f32 v7, $0.0e+00;
	v1 =	vmov v12  }
0x4e: {  	v5 =	vld [tilespmem:s25+$0x150];
	v9 =	vadd.f32 v9, v6;
	v8 =	vmul.f32 v7, v8  }
0x4f: {  	v6 =	vld [tilespmem:s25+$0x8130]  }
0x50: {  	v7 =	vld [tilespmem:s25+$0x140];
	v10 =	vadd.f32 v8, v9  }
.Ltmp0:
0x51: {  	v8 =	vld [tilespmem:s25+$0x8120];
	(pc) =	sbr.rel @p0 .LBB2_3-.Ltmp0, $4  }
0x52: {  	v9 =	vld [tilespmem:s25+$0x130];
	[tilespmem:s23+$0xC180] =	vst v10;
	s23 =	smov.u32 s25  }
0x53: {  	v10 =	vld [tilespmem:s23+$0x8110]  }
0x54: {  	v11 =	vld [tilespmem:s23+$0x8100]  }
0x55: {  	s24 =	sadd.s32 $0x200, s24;
	v12 =	vld [tilespmem:s23+$0x100]  }
0x56: {  	v13 =	vld [tilespmem:s23+$0x4100]  }
0x57: {  	v14 =	vld [tilespmem:s23+$0x110]  }
0x58: {  	v15 =	vld [tilespmem:s23+$0x4110]  }
0x59: {  	v16 =	vld [tilespmem:s23+$0x120]  }
0x5a: {  	v17 =	vld [tilespmem:s23+$0x4120]  }
0x5b: {  	v49 =	vld [tilespmem:$0xC100];
	v12 =	vadd.f32 v13, v12  }
0x5c: {  	v18 =	vld [tilespmem:s23+$0x4130]  }
0x5d: {  	v51 =	vld [tilespmem:$0xC110];
	v50 =	vadd.f32 v15, v14;
	v11 =	vadd.f32 v11, v12  }
0x5e: {  	v52 =	vld [tilespmem:s23+$0x4140]  }
0x5f: {  	v54 =	vld [tilespmem:$0xC120];
	v53 =	vadd.f32 v17, v16;
	v10 =	vadd.f32 v10, v50;
	v11 =	vmax.f32 v11, $0.0e+00  }
0x60: {  	v55 =	vld [tilespmem:s23+$0x4150];
	v11 =	vmul.f32 v11, v49  }
0x61: {  	v56 =	vld [tilespmem:$0xC130];
	v9 =	vadd.f32 v18, v9;
	v8 =	vadd.f32 v8, v53;
	v10 =	vmax.f32 v10, $0.0e+00  }
0x62: {  	v57 =	vld [tilespmem:s23+$0x4160];
	v10 =	vmul.f32 v10, v51;
	v11 =	vadd.f32 $0.0e+00, v11  }
0x63: {  	v58 =	vld [tilespmem:$0xC140];
	v7 =	vadd.f32 v52, v7;
	v6 =	vadd.f32 v6, v9;
	v8 =	vmax.f32 v8, $0.0e+00  }
0x64: {  	v59 =	vld [tilespmem:s23+$0x4170];
	v8 =	vmul.f32 v8, v54;
	v10 =	vadd.f32 v10, v11  }
0x65: {  	v60 =	vld [tilespmem:$0xC150];
	v5 =	vadd.f32 v55, v5;
	v4 =	vadd.f32 v4, v7;
	v6 =	vmax.f32 v6, $0.0e+00  }
0x66: {  	v61 =	vld [tilespmem:s23+$0x8170];
	v6 =	vmul.f32 v6, v56;
	v8 =	vadd.f32 v8, v10  }
0x67: {  	v62 =	vld [tilespmem:$0xC160];
	v3 =	vadd.f32 v57, v3;
	v2 =	vadd.f32 v2, v5;
	v4 =	vmax.f32 v4, $0.0e+00  }
0x68: {  	v4 =	vmul.f32 v4, v58;
	v6 =	vadd.f32 v6, v8  }
0x69: {  	v63 =	vld [tilespmem:$0xC170];
	v0 =	vadd.f32 v59, v0;
	v1 =	vadd.f32 v1, v3;
	v2 =	vmax.f32 v2, $0.0e+00  }
0x6a: {  	v2 =	vmul.f32 v2, v60;
	v4 =	vadd.f32 v4, v6  }
0x6b: {  	v0 =	vadd.f32 v61, v0;
	v1 =	vmax.f32 v1, $0.0e+00  }
0x6c: {  	v1 =	vmul.f32 v1, v62;
	v2 =	vadd.f32 v2, v4  }
0x6d: {  	v0 =	vmax.f32 v0, $0.0e+00  }
0x6e: {  	v0 =	vmul.f32 v0, v63;
	v1 =	vadd.f32 v1, v2;
	_ =	sdelay $0x1  }
0x6f: {  	s21 =	sadd.s32 $0x1, s21;
	v0 =	vadd.f32 v0, v1  }
0x70: {  	p0 =	sne.s32 s21, $0x4F  }
.Ltmp1:
0x71: {  	s22 =	sadd.s32 s9, s22;
	[tilespmem:s23+$0xC180] =	vst v0;
	(pc) =	sbr.rel @p0 .LBB2_2-.Ltmp1, $4  }
0x72: {  	[hbm4b:s22+s2] =	stream.linear.scatter [tilespmem:s19], [sflag:$0x2], $0x4000, $0x38;
	[tilespmem:$0x10180] =	vst v63  }
0x73: {  	_ =	swait.ge [sflag:s13], $0x4000  }
0x74: {  	[sflag:s13] =	ssyncset.done $0x0  }
0x75: {  	[sflag:s13] =	ssyncadd.s32 $0xFFFFC000  }
0x76: {  	s20 =	sadd.s32 $0x1, s20  }
0x77: {  	p0 =	sne.s32 s20, s11  }
.Ltmp2:
0x78: {  	_ = 	snop;
	(pc) =	sbr.rel @p0 .LBB2_1-.Ltmp2, $1  }
0x79: {  	_ =	sdelay $0x3  }
0x7a: {  	_ =	sfence.sel $0x180000  }
0x7b: {  	[bflag:$0x0] =	sbarrier.arrive $0xFFFF  }
0x7c: {  	p0 =	sne.s32 s5, $0x0;
	_ =	strace $0x90000053  }
0x7d: {  	s0 =	sadd.s32 @!p0 $0x100000, s0;
	[bflag:$0x2] =	sbarrier.arrive $0xFFFF  }
0x7e: {  	[sflag:s0] =	ssyncadd.tile.s32 @!p0 $0x1;
	_ =	shalt  }
.Lfunc_end2:
_tile_overlayer_lowered:
.L_overlay_start_2:
0x7f: {  	(tag) =	ssettag $0x2  }
0x80: {  	s0 =	rddreg [dreg:$0x0];
	s2 =	stileid.u32  }
0x81: {  	s1 =	rddreg [dreg:$0x1];
	p0 =	sne.s32 s2, $0x0  }
0x82: {  	s3 =	rddreg [dreg:$0x2];
	[bflag:$0x3] =	sbarrier.arrive $0xFFFF;
	s2 =	simm.s32 @!p0 $0x1C02  }
0x83: {  	[timem:s3], [sflag:s2] =	dma.local @!p0 [hbm:s0], s1  }
0x84: {  	s0 =	simm.s32 @!p0 $0x2  }
0x85: {  	_ =	swait.ge @!p0 [sflag:s0], s1  }
0x86: {  	s1 =	ssub.s32 @!p0 $0x0, s1;
	[sflag:s0] =	ssyncset.done @!p0 $0x0  }
0x87: {  	[sflag:s0] =	ssyncadd.s32 @!p0 s1  }
0x88: {  	[bflag:$0x3] =	sbarrier.arrive $0xFFFF  }
0x89: {  	_ =	shalt  }

</sc_bundles>
